<compile_context>
chip_gen: v7x
topology: tpu7x:2x2x1
jax: 0.10.2.dev20260603
libtpu: 0.0.44.dev20260713+nightly
codegen_flags: <defaults>
</compile_context>

<pallas_src>
import functools

import jax
import jax.numpy as jnp
from jax import lax
from jax.experimental import pallas as pl
from jax.experimental.pallas import tpu as pltpu
from jax.experimental.pallas import tpu_sc as plsc

_NC = 2
_NS = 16
_NW = _NC * _NS


def _sc_gather(tokens, s_lo, s_len, W):
    B, S = tokens.shape
    V, D = W.shape
    N = B * s_len
    per_w = N // _NW
    CH = 16
    n_ch = per_w // CH
    NBUF = 4

    mesh = plsc.VectorSubcoreMesh(core_axis_name="c", subcore_axis_name="s")

    @functools.partial(
        pl.kernel,
        mesh=mesh,
        out_type=jax.ShapeDtypeStruct((N, D), jnp.float32),
        scratch_types=[
            pltpu.VMEM((per_w,), jnp.int32),
        ] + [pltpu.VMEM((CH, D), jnp.float32) for _ in range(NBUF)]
          + [pltpu.SemaphoreType.DMA for _ in range(2 * NBUF)],
    )
    def k(tokens_hbm, W_hbm, out_hbm, idx_v, *bufs_sems):
        bufs = bufs_sems[:NBUF]
        gsems = bufs_sems[NBUF:2 * NBUF]
        ssems = bufs_sems[2 * NBUF:]
        wid = lax.axis_index("s") * _NC + lax.axis_index("c")
        base = wid * per_w
        w_per_b = s_len // per_w
        b0 = wid // w_per_b
        o0 = s_lo + (wid % w_per_b) * per_w
        pltpu.sync_copy(tokens_hbm.at[b0, pl.ds(o0, per_w)], idx_v)

        def gather(c):
            return pltpu.make_async_copy(
                W_hbm.at[idx_v.at[pl.ds(c * CH, CH)]],
                bufs[c % NBUF], gsems[c % NBUF]
            )

        def scatter(c):
            return pltpu.make_async_copy(
                bufs[c % NBUF],
                out_hbm.at[pl.ds(base + c * CH, CH)], ssems[c % NBUF]
            )

        depth = min(NBUF - 1, n_ch)
        for c in range(depth):
            gather(c).start()
        for c in range(n_ch):
            gather(c).wait()
            if c + depth < n_ch:
                if c + depth >= NBUF:
                    scatter(c + depth - NBUF).wait()
                gather(c + depth).start()
            scatter(c).start()
        for c in range(max(n_ch - depth - 1, 0), n_ch):
            scatter(c).wait()

    return k(tokens, W)


def _tc_ln_half(g, P, gamma, beta, B, S, d_model, h, base=None):
    D = g.shape[1]
    S2 = S // 2
    scale = float(d_model) ** 0.5

    def body(*refs):
        g_ref, p_ref, gm_ref, bt_ref = refs[:4]
        o_ref = refs[-1]
        x = g_ref[...] * scale + p_ref[...]
        mu = jnp.mean(x, axis=-1, keepdims=True)
        var = jnp.mean((x - mu) ** 2, axis=-1, keepdims=True)
        xn = (x - mu) / jnp.sqrt(var + 1e-12)
        o_ref[...] = xn * gm_ref[...] + bt_ref[...]

    in_specs = [
        pl.BlockSpec((S2, D), lambda b: (b, 0)),
        pl.BlockSpec((S2, D), lambda b: (h, 0)),
        pl.BlockSpec((1, D), lambda b: (0, 0)),
        pl.BlockSpec((1, D), lambda b: (0, 0)),
    ]
    args = [g, P, gamma.reshape(1, D), beta.reshape(1, D)]
    io_aliases = {}
    if base is not None:
        in_specs.append(pl.BlockSpec(memory_space=pl.ANY))
        args.append(base)
        io_aliases = {4: 0}
    return pl.pallas_call(
        body,
        grid=(B,),
        in_specs=in_specs,
        out_specs=pl.BlockSpec((S2, D), lambda b: (b * 2 + h, 0)),
        out_shape=jax.ShapeDtypeStruct((B * S, D), jnp.float32),
        input_output_aliases=io_aliases,
    )(*args)


def kernel(tokens, att_mask, W, P, gamma, beta):
    B, S = tokens.shape
    D = W.shape[1]
    S2 = S // 2
    g0 = _sc_gather(tokens, 0, S2, W)
    g1 = _sc_gather(tokens, S2, S2, W)
    o0 = _tc_ln_half(g0, P, gamma, beta, B, S, D, 0)
    out = _tc_ln_half(g1, P, gamma, beta, B, S, D, 1, base=o0)
    return out.reshape(B, S, D), att_mask

# --- scband reference (transcript-rebuilt; emitter-appended) ---
"""Pipeline reference for scband-text-processor-76398878261332 (READ-ONLY COPY).

The authoritative reference and input builder live on the scoring server;
editing this copy changes nothing except your own understanding.
"""

import jax, jax.numpy as jnp
import numpy as np

B = 4
S = 2048
D_MODEL = 1024
VOCAB = 100000
MAX_LEN = 2048
PAD_ID = 0
EPS = 1e-12


def setup_inputs(seed: int = 0) -> dict:
    key = jax.random.key(seed)
    k1, k2, k3 = jax.random.split(key, 3)
    tokens = jax.random.randint(k1, (B, S), 0, VOCAB, dtype=jnp.int32)
    att_mask = jnp.zeros((B, S), dtype=jnp.int32)
    W = jax.random.normal(k2, (VOCAB, D_MODEL), dtype=jnp.float32) * 0.02
    W = W.at[PAD_ID].set(0.0)  # padding_idx row zeroed, matching nn.Embedding
    P = jax.random.normal(k3, (MAX_LEN, D_MODEL), dtype=jnp.float32) * 0.02
    gamma = jnp.ones((D_MODEL,), dtype=jnp.float32)
    beta = jnp.zeros((D_MODEL,), dtype=jnp.float32)
    return {"tokens": tokens, "att_mask": att_mask, "W": W, "P": P, "gamma": gamma, "beta": beta}


def reference(tokens, att_mask, W, P, gamma, beta):
    # word embedding lookup (gather)
    input_embeds = jnp.take(W, tokens, axis=0)            # [B, S, D]
    seq_len = input_embeds.shape[1]
    pos = P[:seq_len][None, :, :]                          # broadcast over batch (expand)
    x = input_embeds * jnp.sqrt(jnp.float32(D_MODEL)) + pos
    # LayerNorm over last dim
    mu = jnp.mean(x, axis=-1, keepdims=True)
    var = jnp.mean((x - mu) ** 2, axis=-1, keepdims=True)
    xn = (x - mu) / jnp.sqrt(var + EPS)
    out = xn * gamma + beta
    # dropout is identity in eval mode (dropout_prob=0.0)
    return (out, att_mask)

if __name__ == "__main__":
    import jax
    _d = setup_inputs()
    print(jax.jit(kernel)(*tuple(_d.values())))

</pallas_src>

<mosaic_0001>
#map = affine_map<(d0, d1) -> (0, 0)>
module attributes {stable_mosaic.version = 14 : i64} {
  func.func @k(%arg0: i32, %arg1: i32, %arg2: memref<4x2048xi32, #tpu.memory_space<hbm>>, %arg3: memref<100000x1024xf32, #tpu.memory_space<hbm>>, %arg4: memref<4096x1024xf32, #tpu.memory_space<hbm>>, %arg5: memref<128xi32, #tpu.memory_space<vmem>>, %arg6: memref<16x1024xf32, #tpu.memory_space<vmem>>, %arg7: memref<16x1024xf32, #tpu.memory_space<vmem>>, %arg8: memref<16x1024xf32, #tpu.memory_space<vmem>>, %arg9: memref<16x1024xf32, #tpu.memory_space<vmem>>, %arg10: memref<!tpu.dma_semaphore, #tpu.memory_space<semaphore_mem>>, %arg11: memref<!tpu.dma_semaphore, #tpu.memory_space<semaphore_mem>>, %arg12: memref<!tpu.dma_semaphore, #tpu.memory_space<semaphore_mem>>, %arg13: memref<!tpu.dma_semaphore, #tpu.memory_space<semaphore_mem>>, %arg14: memref<!tpu.dma_semaphore, #tpu.memory_space<semaphore_mem>>, %arg15: memref<!tpu.dma_semaphore, #tpu.memory_space<semaphore_mem>>, %arg16: memref<!tpu.dma_semaphore, #tpu.memory_space<semaphore_mem>>, %arg17: memref<!tpu.dma_semaphore, #tpu.memory_space<semaphore_mem>>) attributes {dimension_semantics = [#tpu.dimension_semantics<core_parallel>, #tpu.dimension_semantics<subcore_parallel>], iteration_bounds = array<i64: 2, 16>, scalar_prefetch = 0 : i64, scratch_operands = 13 : i64, tpu.core_type = #tpu.core_type<sc_vector_subcore>, window_params = [{transform_indices = #map}, {transform_indices = #map}, {transform_indices = #map}]} {
    %mul3A = arith.constant 2 : i32
    %mul3A_0 = arith.muli %arg1, %mul3A : i32
    %add3A = arith.addi %mul3A_0, %arg0 : i32
    %mul3A_1 = arith.constant 128 : i32
    %mul3A_2 = arith.muli %add3A, %mul3A_1 : i32
    %jit3A = arith.constant 8 : i32
    %div3A = arith.divsi %add3A, %jit3A : i32
    %sign3A = arith.constant 0 : i32
    %sign3A_3 = arith.cmpi sgt, %add3A, %sign3A : i32
    %sign3A_4 = arith.extui %sign3A_3 : i1 to i32
    %sign3A_5 = arith.constant 0 : i32
    %sign3A_6 = arith.cmpi slt, %add3A, %sign3A_5 : i32
    %sign3A_7 = arith.extui %sign3A_6 : i1 to i32
    %sign3A_8 = arith.subi %sign3A_4, %sign3A_7 : i32
    %sign3A_9 = arith.constant 0 : i32
    %sign3A_10 = arith.cmpi sgt, %jit3A, %sign3A_9 : i32
    %sign3A_11 = arith.extui %sign3A_10 : i1 to i32
    %sign3A_12 = arith.constant 0 : i32
    %sign3A_13 = arith.cmpi slt, %jit3A, %sign3A_12 : i32
    %sign3A_14 = arith.extui %sign3A_13 : i1 to i32
    %sign3A_15 = arith.subi %sign3A_11, %sign3A_14 : i32
    %ne3A = arith.cmpi ne, %sign3A_8, %sign3A_15 : i32
    %rem3A = arith.remsi %add3A, %jit3A : i32
    %ne3A_16 = arith.constant 0 : i32
    %ne3A_17 = arith.cmpi ne, %rem3A, %ne3A_16 : i32
    %and3A = arith.andi %ne3A, %ne3A_17 : i1
    %sub3A = arith.constant 1 : i32
    %sub3A_18 = arith.subi %div3A, %sub3A : i32
    %select_n3A = arith.select %and3A, %sub3A_18, %div3A : i32
    %jit3A_19 = arith.constant 8 : i32
    %eq3A = arith.constant 0 : i32
    %eq3A_20 = arith.cmpi eq, %jit3A_19, %eq3A : i32
    %jit3A_21 = arith.constant 1 : i32
    %select_n3A_22 = arith.select %eq3A_20, %jit3A_21, %jit3A_19 : i32
    %rem3A_23 = arith.remsi %add3A, %select_n3A_22 : i32
    %ne3A_24 = arith.constant 0 : i32
    %ne3A_25 = arith.cmpi ne, %rem3A_23, %ne3A_24 : i32
    %lt3A = arith.constant 0 : i32
    %lt3A_26 = arith.cmpi slt, %rem3A_23, %lt3A : i32
    %lt3A_27 = arith.constant 0 : i32
    %lt3A_28 = arith.cmpi slt, %select_n3A_22, %lt3A_27 : i32
    %ne3A_29 = arith.xori %lt3A_26, %lt3A_28 : i1
    %and3A_30 = arith.andi %ne3A_29, %ne3A_25 : i1
    %add3A_31 = arith.addi %rem3A_23, %select_n3A_22 : i32
    %select_n3A_32 = arith.select %and3A_30, %add3A_31, %rem3A_23 : i32
    %mul3A_33 = arith.constant 128 : i32
    %mul3A_34 = arith.muli %select_n3A_32, %mul3A_33 : i32
    %add3A_35 = arith.constant 1024 : i32
    %add3A_36 = arith.addi %add3A_35, %mul3A_34 : i32
    "tpu.region"() ({
      %run_scoped3A = tpu.sem_alloc : memref<!tpu.dma_semaphore, #tpu.memory_space<semaphore_mem>>
      %dma_start3A_211 = tpu.memref_slice %arg2[%select_n3A, %add3A_36] : memref<4x2048xi32, #tpu.memory_space<hbm>> -> memref<1x128xi32, #tpu.memory_space<hbm>>
      %dma_start3A_212 = tpu.memref_squeeze %dma_start3A_211 : memref<1x128xi32, #tpu.memory_space<hbm>> -> memref<128xi32, #tpu.memory_space<hbm>>
      %dma_start3A_213 = tpu.memref_slice %arg2[%select_n3A, %add3A_36] : memref<4x2048xi32, #tpu.memory_space<hbm>> -> memref<1x128xi32, #tpu.memory_space<hbm>>
      %dma_start3A_214 = tpu.memref_squeeze %dma_start3A_213 : memref<1x128xi32, #tpu.memory_space<hbm>> -> memref<128xi32, #tpu.memory_space<hbm>>
      tpu.enqueue_dma source(%dma_start3A_214 : memref<128xi32, #tpu.memory_space<hbm>>) target(%arg5 : memref<128xi32, #tpu.memory_space<vmem>>) target_semaphore(%run_scoped3A : memref<!tpu.dma_semaphore, #tpu.memory_space<semaphore_mem>>)
      %dma_wait3A_215 = tpu.memref_slice %arg2[%select_n3A, %add3A_36] : memref<4x2048xi32, #tpu.memory_space<hbm>> -> memref<1x128xi32, #tpu.memory_space<hbm>>
      %dma_wait3A_216 = tpu.memref_squeeze %dma_wait3A_215 : memref<1x128xi32, #tpu.memory_space<hbm>> -> memref<128xi32, #tpu.memory_space<hbm>>
      %dma_wait3A_217 = tpu.memref_slice %arg2[%select_n3A, %add3A_36] : memref<4x2048xi32, #tpu.memory_space<hbm>> -> memref<1x128xi32, #tpu.memory_space<hbm>>
      %dma_wait3A_218 = tpu.memref_squeeze %dma_wait3A_217 : memref<1x128xi32, #tpu.memory_space<hbm>> -> memref<128xi32, #tpu.memory_space<hbm>>
      tpu.wait_dma2 semaphore(%run_scoped3A : memref<!tpu.dma_semaphore, #tpu.memory_space<semaphore_mem>>) src(%dma_wait3A_218 : memref<128xi32, #tpu.memory_space<hbm>>) dst(%arg5 : memref<128xi32, #tpu.memory_space<vmem>>)
      tpu.yield
    }) : () -> ()
    %dma_start3A = arith.constant 0 : i32
    %dma_start3A_37 = tpu.memref_slice %arg5[%dma_start3A] : memref<128xi32, #tpu.memory_space<vmem>> -> memref<16xi32, #tpu.memory_space<vmem>>
    %dma_start3A_38 = arith.constant 0 : i32
    %dma_start3A_39 = arith.constant 0 : i32
    %dma_start3A_40 = tpu.memref_slice %arg3[%dma_start3A_38, %dma_start3A_39] : memref<100000x1024xf32, #tpu.memory_space<hbm>> -> memref<100000x1024xf32, #tpu.memory_space<hbm>>
    tpu.enqueue_indirect_dma source(%dma_start3A_40 : memref<100000x1024xf32, #tpu.memory_space<hbm>>) target(%arg6 : memref<16x1024xf32, #tpu.memory_space<vmem>>) offsets(%dma_start3A_37 : memref<16xi32, #tpu.memory_space<vmem>>) semaphore(%arg10 : memref<!tpu.dma_semaphore, #tpu.memory_space<semaphore_mem>>)
    %dma_start3A_41 = arith.constant 16 : i32
    %dma_start3A_42 = tpu.memref_slice %arg5[%dma_start3A_41] : memref<128xi32, #tpu.memory_space<vmem>> -> memref<16xi32, #tpu.memory_space<vmem>>
    %dma_start3A_43 = arith.constant 0 : i32
    %dma_start3A_44 = arith.constant 0 : i32
    %dma_start3A_45 = tpu.memref_slice %arg3[%dma_start3A_43, %dma_start3A_44] : memref<100000x1024xf32, #tpu.memory_space<hbm>> -> memref<100000x1024xf32, #tpu.memory_space<hbm>>
    tpu.enqueue_indirect_dma source(%dma_start3A_45 : memref<100000x1024xf32, #tpu.memory_space<hbm>>) target(%arg7 : memref<16x1024xf32, #tpu.memory_space<vmem>>) offsets(%dma_start3A_42 : memref<16xi32, #tpu.memory_space<vmem>>) semaphore(%arg11 : memref<!tpu.dma_semaphore, #tpu.memory_space<semaphore_mem>>)
    %dma_start3A_46 = arith.constant 32 : i32
    %dma_start3A_47 = tpu.memref_slice %arg5[%dma_start3A_46] : memref<128xi32, #tpu.memory_space<vmem>> -> memref<16xi32, #tpu.memory_space<vmem>>
    %dma_start3A_48 = arith.constant 0 : i32
    %dma_start3A_49 = arith.constant 0 : i32
    %dma_start3A_50 = tpu.memref_slice %arg3[%dma_start3A_48, %dma_start3A_49] : memref<100000x1024xf32, #tpu.memory_space<hbm>> -> memref<100000x1024xf32, #tpu.memory_space<hbm>>
    tpu.enqueue_indirect_dma source(%dma_start3A_50 : memref<100000x1024xf32, #tpu.memory_space<hbm>>) target(%arg8 : memref<16x1024xf32, #tpu.memory_space<vmem>>) offsets(%dma_start3A_47 : memref<16xi32, #tpu.memory_space<vmem>>) semaphore(%arg12 : memref<!tpu.dma_semaphore, #tpu.memory_space<semaphore_mem>>)
    %dma_wait3A = arith.constant 0 : i32
    %dma_wait3A_51 = tpu.memref_slice %arg5[%dma_wait3A] : memref<128xi32, #tpu.memory_space<vmem>> -> memref<16xi32, #tpu.memory_space<vmem>>
    %dma_wait3A_52 = arith.constant 0 : i32
    %dma_wait3A_53 = arith.constant 0 : i32
    %dma_wait3A_54 = tpu.memref_slice %arg3[%dma_wait3A_52, %dma_wait3A_53] : memref<100000x1024xf32, #tpu.memory_space<hbm>> -> memref<100000x1024xf32, #tpu.memory_space<hbm>>
    tpu.wait_indirect_dma semaphore(%arg10 : memref<!tpu.dma_semaphore, #tpu.memory_space<semaphore_mem>>) src(%dma_wait3A_54 : memref<100000x1024xf32, #tpu.memory_space<hbm>>) dst(%arg6 : memref<16x1024xf32, #tpu.memory_space<vmem>>)
    %dma_start3A_55 = arith.constant 48 : i32
    %dma_start3A_56 = tpu.memref_slice %arg5[%dma_start3A_55] : memref<128xi32, #tpu.memory_space<vmem>> -> memref<16xi32, #tpu.memory_space<vmem>>
    %dma_start3A_57 = arith.constant 0 : i32
    %dma_start3A_58 = arith.constant 0 : i32
    %dma_start3A_59 = tpu.memref_slice %arg3[%dma_start3A_57, %dma_start3A_58] : memref<100000x1024xf32, #tpu.memory_space<hbm>> -> memref<100000x1024xf32, #tpu.memory_space<hbm>>
    tpu.enqueue_indirect_dma source(%dma_start3A_59 : memref<100000x1024xf32, #tpu.memory_space<hbm>>) target(%arg9 : memref<16x1024xf32, #tpu.memory_space<vmem>>) offsets(%dma_start3A_56 : memref<16xi32, #tpu.memory_space<vmem>>) semaphore(%arg13 : memref<!tpu.dma_semaphore, #tpu.memory_space<semaphore_mem>>)
    %add3A_60 = arith.constant 0 : i32
    %add3A_61 = arith.addi %mul3A_2, %add3A_60 : i32
    %dma_start3A_62 = arith.constant 0 : i32
    %dma_start3A_63 = tpu.memref_slice %arg4[%add3A_61, %dma_start3A_62] : memref<4096x1024xf32, #tpu.memory_space<hbm>> -> memref<16x1024xf32, #tpu.memory_space<hbm>>
    %dma_start3A_64 = arith.constant 0 : i32
    %dma_start3A_65 = tpu.memref_slice %arg4[%add3A_61, %dma_start3A_64] : memref<4096x1024xf32, #tpu.memory_space<hbm>> -> memref<16x1024xf32, #tpu.memory_space<hbm>>
    tpu.enqueue_dma source(%arg6 : memref<16x1024xf32, #tpu.memory_space<vmem>>) target(%dma_start3A_65 : memref<16x1024xf32, #tpu.memory_space<hbm>>) target_semaphore(%arg14 : memref<!tpu.dma_semaphore, #tpu.memory_space<semaphore_mem>>)
    %dma_wait3A_66 = arith.constant 16 : i32
    %dma_wait3A_67 = tpu.memref_slice %arg5[%dma_wait3A_66] : memref<128xi32, #tpu.memory_space<vmem>> -> memref<16xi32, #tpu.memory_space<vmem>>
    %dma_wait3A_68 = arith.constant 0 : i32
    %dma_wait3A_69 = arith.constant 0 : i32
    %dma_wait3A_70 = tpu.memref_slice %arg3[%dma_wait3A_68, %dma_wait3A_69] : memref<100000x1024xf32, #tpu.memory_space<hbm>> -> memref<100000x1024xf32, #tpu.memory_space<hbm>>
    tpu.wait_indirect_dma semaphore(%arg11 : memref<!tpu.dma_semaphore, #tpu.memory_space<semaphore_mem>>) src(%dma_wait3A_70 : memref<100000x1024xf32, #tpu.memory_space<hbm>>) dst(%arg7 : memref<16x1024xf32, #tpu.memory_space<vmem>>)
    %add3A_71 = arith.constant 0 : i32
    %add3A_72 = arith.addi %mul3A_2, %add3A_71 : i32
    %dma_wait3A_73 = arith.constant 0 : i32
    %dma_wait3A_74 = tpu.memref_slice %arg4[%add3A_72, %dma_wait3A_73] : memref<4096x1024xf32, #tpu.memory_space<hbm>> -> memref<16x1024xf32, #tpu.memory_space<hbm>>
    %dma_wait3A_75 = arith.constant 0 : i32
    %dma_wait3A_76 = tpu.memref_slice %arg4[%add3A_72, %dma_wait3A_75] : memref<4096x1024xf32, #tpu.memory_space<hbm>> -> memref<16x1024xf32, #tpu.memory_space<hbm>>
    tpu.wait_dma2 semaphore(%arg14 : memref<!tpu.dma_semaphore, #tpu.memory_space<semaphore_mem>>) src(%arg6 : memref<16x1024xf32, #tpu.memory_space<vmem>>) dst(%dma_wait3A_76 : memref<16x1024xf32, #tpu.memory_space<hbm>>)
    %dma_start3A_77 = arith.constant 64 : i32
    %dma_start3A_78 = tpu.memref_slice %arg5[%dma_start3A_77] : memref<128xi32, #tpu.memory_space<vmem>> -> memref<16xi32, #tpu.memory_space<vmem>>
    %dma_start3A_79 = arith.constant 0 : i32
    %dma_start3A_80 = arith.constant 0 : i32
    %dma_start3A_81 = tpu.memref_slice %arg3[%dma_start3A_79, %dma_start3A_80] : memref<100000x1024xf32, #tpu.memory_space<hbm>> -> memref<100000x1024xf32, #tpu.memory_space<hbm>>
    tpu.enqueue_indirect_dma source(%dma_start3A_81 : memref<100000x1024xf32, #tpu.memory_space<hbm>>) target(%arg6 : memref<16x1024xf32, #tpu.memory_space<vmem>>) offsets(%dma_start3A_78 : memref<16xi32, #tpu.memory_space<vmem>>) semaphore(%arg10 : memref<!tpu.dma_semaphore, #tpu.memory_space<semaphore_mem>>)
    %add3A_82 = arith.constant 16 : i32
    %add3A_83 = arith.addi %mul3A_2, %add3A_82 : i32
    %dma_start3A_84 = arith.constant 0 : i32
    %dma_start3A_85 = tpu.memref_slice %arg4[%add3A_83, %dma_start3A_84] : memref<4096x1024xf32, #tpu.memory_space<hbm>> -> memref<16x1024xf32, #tpu.memory_space<hbm>>
    %dma_start3A_86 = arith.constant 0 : i32
    %dma_start3A_87 = tpu.memref_slice %arg4[%add3A_83, %dma_start3A_86] : memref<4096x1024xf32, #tpu.memory_space<hbm>> -> memref<16x1024xf32, #tpu.memory_space<hbm>>
    tpu.enqueue_dma source(%arg7 : memref<16x1024xf32, #tpu.memory_space<vmem>>) target(%dma_start3A_87 : memref<16x1024xf32, #tpu.memory_space<hbm>>) target_semaphore(%arg15 : memref<!tpu.dma_semaphore, #tpu.memory_space<semaphore_mem>>)
    %dma_wait3A_88 = arith.constant 32 : i32
    %dma_wait3A_89 = tpu.memref_slice %arg5[%dma_wait3A_88] : memref<128xi32, #tpu.memory_space<vmem>> -> memref<16xi32, #tpu.memory_space<vmem>>
    %dma_wait3A_90 = arith.constant 0 : i32
    %dma_wait3A_91 = arith.constant 0 : i32
    %dma_wait3A_92 = tpu.memref_slice %arg3[%dma_wait3A_90, %dma_wait3A_91] : memref<100000x1024xf32, #tpu.memory_space<hbm>> -> memref<100000x1024xf32, #tpu.memory_space<hbm>>
    tpu.wait_indirect_dma semaphore(%arg12 : memref<!tpu.dma_semaphore, #tpu.memory_space<semaphore_mem>>) src(%dma_wait3A_92 : memref<100000x1024xf32, #tpu.memory_space<hbm>>) dst(%arg8 : memref<16x1024xf32, #tpu.memory_space<vmem>>)
    %add3A_93 = arith.constant 16 : i32
    %add3A_94 = arith.addi %mul3A_2, %add3A_93 : i32
    %dma_wait3A_95 = arith.constant 0 : i32
    %dma_wait3A_96 = tpu.memref_slice %arg4[%add3A_94, %dma_wait3A_95] : memref<4096x1024xf32, #tpu.memory_space<hbm>> -> memref<16x1024xf32, #tpu.memory_space<hbm>>
    %dma_wait3A_97 = arith.constant 0 : i32
    %dma_wait3A_98 = tpu.memref_slice %arg4[%add3A_94, %dma_wait3A_97] : memref<4096x1024xf32, #tpu.memory_space<hbm>> -> memref<16x1024xf32, #tpu.memory_space<hbm>>
    tpu.wait_dma2 semaphore(%arg15 : memref<!tpu.dma_semaphore, #tpu.memory_space<semaphore_mem>>) src(%arg7 : memref<16x1024xf32, #tpu.memory_space<vmem>>) dst(%dma_wait3A_98 : memref<16x1024xf32, #tpu.memory_space<hbm>>)
    %dma_start3A_99 = arith.constant 80 : i32
    %dma_start3A_100 = tpu.memref_slice %arg5[%dma_start3A_99] : memref<128xi32, #tpu.memory_space<vmem>> -> memref<16xi32, #tpu.memory_space<vmem>>
    %dma_start3A_101 = arith.constant 0 : i32
    %dma_start3A_102 = arith.constant 0 : i32
    %dma_start3A_103 = tpu.memref_slice %arg3[%dma_start3A_101, %dma_start3A_102] : memref<100000x1024xf32, #tpu.memory_space<hbm>> -> memref<100000x1024xf32, #tpu.memory_space<hbm>>
    tpu.enqueue_indirect_dma source(%dma_start3A_103 : memref<100000x1024xf32, #tpu.memory_space<hbm>>) target(%arg7 : memref<16x1024xf32, #tpu.memory_space<vmem>>) offsets(%dma_start3A_100 : memref<16xi32, #tpu.memory_space<vmem>>) semaphore(%arg11 : memref<!tpu.dma_semaphore, #tpu.memory_space<semaphore_mem>>)
    %add3A_104 = arith.constant 32 : i32
    %add3A_105 = arith.addi %mul3A_2, %add3A_104 : i32
    %dma_start3A_106 = arith.constant 0 : i32
    %dma_start3A_107 = tpu.memref_slice %arg4[%add3A_105, %dma_start3A_106] : memref<4096x1024xf32, #tpu.memory_space<hbm>> -> memref<16x1024xf32, #tpu.memory_space<hbm>>
    %dma_start3A_108 = arith.constant 0 : i32
    %dma_start3A_109 = tpu.memref_slice %arg4[%add3A_105, %dma_start3A_108] : memref<4096x1024xf32, #tpu.memory_space<hbm>> -> memref<16x1024xf32, #tpu.memory_space<hbm>>
    tpu.enqueue_dma source(%arg8 : memref<16x1024xf32, #tpu.memory_space<vmem>>) target(%dma_start3A_109 : memref<16x1024xf32, #tpu.memory_space<hbm>>) target_semaphore(%arg16 : memref<!tpu.dma_semaphore, #tpu.memory_space<semaphore_mem>>)
    %dma_wait3A_110 = arith.constant 48 : i32
    %dma_wait3A_111 = tpu.memref_slice %arg5[%dma_wait3A_110] : memref<128xi32, #tpu.memory_space<vmem>> -> memref<16xi32, #tpu.memory_space<vmem>>
    %dma_wait3A_112 = arith.constant 0 : i32
    %dma_wait3A_113 = arith.constant 0 : i32
    %dma_wait3A_114 = tpu.memref_slice %arg3[%dma_wait3A_112, %dma_wait3A_113] : memref<100000x1024xf32, #tpu.memory_space<hbm>> -> memref<100000x1024xf32, #tpu.memory_space<hbm>>
    tpu.wait_indirect_dma semaphore(%arg13 : memref<!tpu.dma_semaphore, #tpu.memory_space<semaphore_mem>>) src(%dma_wait3A_114 : memref<100000x1024xf32, #tpu.memory_space<hbm>>) dst(%arg9 : memref<16x1024xf32, #tpu.memory_space<vmem>>)
    %add3A_115 = arith.constant 32 : i32
    %add3A_116 = arith.addi %mul3A_2, %add3A_115 : i32
    %dma_wait3A_117 = arith.constant 0 : i32
    %dma_wait3A_118 = tpu.memref_slice %arg4[%add3A_116, %dma_wait3A_117] : memref<4096x1024xf32, #tpu.memory_space<hbm>> -> memref<16x1024xf32, #tpu.memory_space<hbm>>
    %dma_wait3A_119 = arith.constant 0 : i32
    %dma_wait3A_120 = tpu.memref_slice %arg4[%add3A_116, %dma_wait3A_119] : memref<4096x1024xf32, #tpu.memory_space<hbm>> -> memref<16x1024xf32, #tpu.memory_space<hbm>>
    tpu.wait_dma2 semaphore(%arg16 : memref<!tpu.dma_semaphore, #tpu.memory_space<semaphore_mem>>) src(%arg8 : memref<16x1024xf32, #tpu.memory_space<vmem>>) dst(%dma_wait3A_120 : memref<16x1024xf32, #tpu.memory_space<hbm>>)
    %dma_start3A_121 = arith.constant 96 : i32
    %dma_start3A_122 = tpu.memref_slice %arg5[%dma_start3A_121] : memref<128xi32, #tpu.memory_space<vmem>> -> memref<16xi32, #tpu.memory_space<vmem>>
    %dma_start3A_123 = arith.constant 0 : i32
    %dma_start3A_124 = arith.constant 0 : i32
    %dma_start3A_125 = tpu.memref_slice %arg3[%dma_start3A_123, %dma_start3A_124] : memref<100000x1024xf32, #tpu.memory_space<hbm>> -> memref<100000x1024xf32, #tpu.memory_space<hbm>>
    tpu.enqueue_indirect_dma source(%dma_start3A_125 : memref<100000x1024xf32, #tpu.memory_space<hbm>>) target(%arg8 : memref<16x1024xf32, #tpu.memory_space<vmem>>) offsets(%dma_start3A_122 : memref<16xi32, #tpu.memory_space<vmem>>) semaphore(%arg12 : memref<!tpu.dma_semaphore, #tpu.memory_space<semaphore_mem>>)
    %add3A_126 = arith.constant 48 : i32
    %add3A_127 = arith.addi %mul3A_2, %add3A_126 : i32
    %dma_start3A_128 = arith.constant 0 : i32
    %dma_start3A_129 = tpu.memref_slice %arg4[%add3A_127, %dma_start3A_128] : memref<4096x1024xf32, #tpu.memory_space<hbm>> -> memref<16x1024xf32, #tpu.memory_space<hbm>>
    %dma_start3A_130 = arith.constant 0 : i32
    %dma_start3A_131 = tpu.memref_slice %arg4[%add3A_127, %dma_start3A_130] : memref<4096x1024xf32, #tpu.memory_space<hbm>> -> memref<16x1024xf32, #tpu.memory_space<hbm>>
    tpu.enqueue_dma source(%arg9 : memref<16x1024xf32, #tpu.memory_space<vmem>>) target(%dma_start3A_131 : memref<16x1024xf32, #tpu.memory_space<hbm>>) target_semaphore(%arg17 : memref<!tpu.dma_semaphore, #tpu.memory_space<semaphore_mem>>)
    %dma_wait3A_132 = arith.constant 64 : i32
    %dma_wait3A_133 = tpu.memref_slice %arg5[%dma_wait3A_132] : memref<128xi32, #tpu.memory_space<vmem>> -> memref<16xi32, #tpu.memory_space<vmem>>
    %dma_wait3A_134 = arith.constant 0 : i32
    %dma_wait3A_135 = arith.constant 0 : i32
    %dma_wait3A_136 = tpu.memref_slice %arg3[%dma_wait3A_134, %dma_wait3A_135] : memref<100000x1024xf32, #tpu.memory_space<hbm>> -> memref<100000x1024xf32, #tpu.memory_space<hbm>>
    tpu.wait_indirect_dma semaphore(%arg10 : memref<!tpu.dma_semaphore, #tpu.memory_space<semaphore_mem>>) src(%dma_wait3A_136 : memref<100000x1024xf32, #tpu.memory_space<hbm>>) dst(%arg6 : memref<16x1024xf32, #tpu.memory_space<vmem>>)
    %add3A_137 = arith.constant 48 : i32
    %add3A_138 = arith.addi %mul3A_2, %add3A_137 : i32
    %dma_wait3A_139 = arith.constant 0 : i32
    %dma_wait3A_140 = tpu.memref_slice %arg4[%add3A_138, %dma_wait3A_139] : memref<4096x1024xf32, #tpu.memory_space<hbm>> -> memref<16x1024xf32, #tpu.memory_space<hbm>>
    %dma_wait3A_141 = arith.constant 0 : i32
    %dma_wait3A_142 = tpu.memref_slice %arg4[%add3A_138, %dma_wait3A_141] : memref<4096x1024xf32, #tpu.memory_space<hbm>> -> memref<16x1024xf32, #tpu.memory_space<hbm>>
    tpu.wait_dma2 semaphore(%arg17 : memref<!tpu.dma_semaphore, #tpu.memory_space<semaphore_mem>>) src(%arg9 : memref<16x1024xf32, #tpu.memory_space<vmem>>) dst(%dma_wait3A_142 : memref<16x1024xf32, #tpu.memory_space<hbm>>)
    %dma_start3A_143 = arith.constant 112 : i32
    %dma_start3A_144 = tpu.memref_slice %arg5[%dma_start3A_143] : memref<128xi32, #tpu.memory_space<vmem>> -> memref<16xi32, #tpu.memory_space<vmem>>
    %dma_start3A_145 = arith.constant 0 : i32
    %dma_start3A_146 = arith.constant 0 : i32
    %dma_start3A_147 = tpu.memref_slice %arg3[%dma_start3A_145, %dma_start3A_146] : memref<100000x1024xf32, #tpu.memory_space<hbm>> -> memref<100000x1024xf32, #tpu.memory_space<hbm>>
    tpu.enqueue_indirect_dma source(%dma_start3A_147 : memref<100000x1024xf32, #tpu.memory_space<hbm>>) target(%arg9 : memref<16x1024xf32, #tpu.memory_space<vmem>>) offsets(%dma_start3A_144 : memref<16xi32, #tpu.memory_space<vmem>>) semaphore(%arg13 : memref<!tpu.dma_semaphore, #tpu.memory_space<semaphore_mem>>)
    %add3A_148 = arith.constant 64 : i32
    %add3A_149 = arith.addi %mul3A_2, %add3A_148 : i32
    %dma_start3A_150 = arith.constant 0 : i32
    %dma_start3A_151 = tpu.memref_slice %arg4[%add3A_149, %dma_start3A_150] : memref<4096x1024xf32, #tpu.memory_space<hbm>> -> memref<16x1024xf32, #tpu.memory_space<hbm>>
    %dma_start3A_152 = arith.constant 0 : i32
    %dma_start3A_153 = tpu.memref_slice %arg4[%add3A_149, %dma_start3A_152] : memref<4096x1024xf32, #tpu.memory_space<hbm>> -> memref<16x1024xf32, #tpu.memory_space<hbm>>
    tpu.enqueue_dma source(%arg6 : memref<16x1024xf32, #tpu.memory_space<vmem>>) target(%dma_start3A_153 : memref<16x1024xf32, #tpu.memory_space<hbm>>) target_semaphore(%arg14 : memref<!tpu.dma_semaphore, #tpu.memory_space<semaphore_mem>>)
    %dma_wait3A_154 = arith.constant 80 : i32
    %dma_wait3A_155 = tpu.memref_slice %arg5[%dma_wait3A_154] : memref<128xi32, #tpu.memory_space<vmem>> -> memref<16xi32, #tpu.memory_space<vmem>>
    %dma_wait3A_156 = arith.constant 0 : i32
    %dma_wait3A_157 = arith.constant 0 : i32
    %dma_wait3A_158 = tpu.memref_slice %arg3[%dma_wait3A_156, %dma_wait3A_157] : memref<100000x1024xf32, #tpu.memory_space<hbm>> -> memref<100000x1024xf32, #tpu.memory_space<hbm>>
    tpu.wait_indirect_dma semaphore(%arg11 : memref<!tpu.dma_semaphore, #tpu.memory_space<semaphore_mem>>) src(%dma_wait3A_158 : memref<100000x1024xf32, #tpu.memory_space<hbm>>) dst(%arg7 : memref<16x1024xf32, #tpu.memory_space<vmem>>)
    %add3A_159 = arith.constant 80 : i32
    %add3A_160 = arith.addi %mul3A_2, %add3A_159 : i32
    %dma_start3A_161 = arith.constant 0 : i32
    %dma_start3A_162 = tpu.memref_slice %arg4[%add3A_160, %dma_start3A_161] : memref<4096x1024xf32, #tpu.memory_space<hbm>> -> memref<16x1024xf32, #tpu.memory_space<hbm>>
    %dma_start3A_163 = arith.constant 0 : i32
    %dma_start3A_164 = tpu.memref_slice %arg4[%add3A_160, %dma_start3A_163] : memref<4096x1024xf32, #tpu.memory_space<hbm>> -> memref<16x1024xf32, #tpu.memory_space<hbm>>
    tpu.enqueue_dma source(%arg7 : memref<16x1024xf32, #tpu.memory_space<vmem>>) target(%dma_start3A_164 : memref<16x1024xf32, #tpu.memory_space<hbm>>) target_semaphore(%arg15 : memref<!tpu.dma_semaphore, #tpu.memory_space<semaphore_mem>>)
    %dma_wait3A_165 = arith.constant 96 : i32
    %dma_wait3A_166 = tpu.memref_slice %arg5[%dma_wait3A_165] : memref<128xi32, #tpu.memory_space<vmem>> -> memref<16xi32, #tpu.memory_space<vmem>>
    %dma_wait3A_167 = arith.constant 0 : i32
    %dma_wait3A_168 = arith.constant 0 : i32
    %dma_wait3A_169 = tpu.memref_slice %arg3[%dma_wait3A_167, %dma_wait3A_168] : memref<100000x1024xf32, #tpu.memory_space<hbm>> -> memref<100000x1024xf32, #tpu.memory_space<hbm>>
    tpu.wait_indirect_dma semaphore(%arg12 : memref<!tpu.dma_semaphore, #tpu.memory_space<semaphore_mem>>) src(%dma_wait3A_169 : memref<100000x1024xf32, #tpu.memory_space<hbm>>) dst(%arg8 : memref<16x1024xf32, #tpu.memory_space<vmem>>)
    %add3A_170 = arith.constant 96 : i32
    %add3A_171 = arith.addi %mul3A_2, %add3A_170 : i32
    %dma_start3A_172 = arith.constant 0 : i32
    %dma_start3A_173 = tpu.memref_slice %arg4[%add3A_171, %dma_start3A_172] : memref<4096x1024xf32, #tpu.memory_space<hbm>> -> memref<16x1024xf32, #tpu.memory_space<hbm>>
    %dma_start3A_174 = arith.constant 0 : i32
    %dma_start3A_175 = tpu.memref_slice %arg4[%add3A_171, %dma_start3A_174] : memref<4096x1024xf32, #tpu.memory_space<hbm>> -> memref<16x1024xf32, #tpu.memory_space<hbm>>
    tpu.enqueue_dma source(%arg8 : memref<16x1024xf32, #tpu.memory_space<vmem>>) target(%dma_start3A_175 : memref<16x1024xf32, #tpu.memory_space<hbm>>) target_semaphore(%arg16 : memref<!tpu.dma_semaphore, #tpu.memory_space<semaphore_mem>>)
    %dma_wait3A_176 = arith.constant 112 : i32
    %dma_wait3A_177 = tpu.memref_slice %arg5[%dma_wait3A_176] : memref<128xi32, #tpu.memory_space<vmem>> -> memref<16xi32, #tpu.memory_space<vmem>>
    %dma_wait3A_178 = arith.constant 0 : i32
    %dma_wait3A_179 = arith.constant 0 : i32
    %dma_wait3A_180 = tpu.memref_slice %arg3[%dma_wait3A_178, %dma_wait3A_179] : memref<100000x1024xf32, #tpu.memory_space<hbm>> -> memref<100000x1024xf32, #tpu.memory_space<hbm>>
    tpu.wait_indirect_dma semaphore(%arg13 : memref<!tpu.dma_semaphore, #tpu.memory_space<semaphore_mem>>) src(%dma_wait3A_180 : memref<100000x1024xf32, #tpu.memory_space<hbm>>) dst(%arg9 : memref<16x1024xf32, #tpu.memory_space<vmem>>)
    %add3A_181 = arith.constant 112 : i32
    %add3A_182 = arith.addi %mul3A_2, %add3A_181 : i32
    %dma_start3A_183 = arith.constant 0 : i32
    %dma_start3A_184 = tpu.memref_slice %arg4[%add3A_182, %dma_start3A_183] : memref<4096x1024xf32, #tpu.memory_space<hbm>> -> memref<16x1024xf32, #tpu.memory_space<hbm>>
    %dma_start3A_185 = arith.constant 0 : i32
    %dma_start3A_186 = tpu.memref_slice %arg4[%add3A_182, %dma_start3A_185] : memref<4096x1024xf32, #tpu.memory_space<hbm>> -> memref<16x1024xf32, #tpu.memory_space<hbm>>
    tpu.enqueue_dma source(%arg9 : memref<16x1024xf32, #tpu.memory_space<vmem>>) target(%dma_start3A_186 : memref<16x1024xf32, #tpu.memory_space<hbm>>) target_semaphore(%arg17 : memref<!tpu.dma_semaphore, #tpu.memory_space<semaphore_mem>>)
    %add3A_187 = arith.constant 64 : i32
    %add3A_188 = arith.addi %mul3A_2, %add3A_187 : i32
    %dma_wait3A_189 = arith.constant 0 : i32
    %dma_wait3A_190 = tpu.memref_slice %arg4[%add3A_188, %dma_wait3A_189] : memref<4096x1024xf32, #tpu.memory_space<hbm>> -> memref<16x1024xf32, #tpu.memory_space<hbm>>
    %dma_wait3A_191 = arith.constant 0 : i32
    %dma_wait3A_192 = tpu.memref_slice %arg4[%add3A_188, %dma_wait3A_191] : memref<4096x1024xf32, #tpu.memory_space<hbm>> -> memref<16x1024xf32, #tpu.memory_space<hbm>>
    tpu.wait_dma2 semaphore(%arg14 : memref<!tpu.dma_semaphore, #tpu.memory_space<semaphore_mem>>) src(%arg6 : memref<16x1024xf32, #tpu.memory_space<vmem>>) dst(%dma_wait3A_192 : memref<16x1024xf32, #tpu.memory_space<hbm>>)
    %add3A_193 = arith.constant 80 : i32
    %add3A_194 = arith.addi %mul3A_2, %add3A_193 : i32
    %dma_wait3A_195 = arith.constant 0 : i32
    %dma_wait3A_196 = tpu.memref_slice %arg4[%add3A_194, %dma_wait3A_195] : memref<4096x1024xf32, #tpu.memory_space<hbm>> -> memref<16x1024xf32, #tpu.memory_space<hbm>>
    %dma_wait3A_197 = arith.constant 0 : i32
    %dma_wait3A_198 = tpu.memref_slice %arg4[%add3A_194, %dma_wait3A_197] : memref<4096x1024xf32, #tpu.memory_space<hbm>> -> memref<16x1024xf32, #tpu.memory_space<hbm>>
    tpu.wait_dma2 semaphore(%arg15 : memref<!tpu.dma_semaphore, #tpu.memory_space<semaphore_mem>>) src(%arg7 : memref<16x1024xf32, #tpu.memory_space<vmem>>) dst(%dma_wait3A_198 : memref<16x1024xf32, #tpu.memory_space<hbm>>)
    %add3A_199 = arith.constant 96 : i32
    %add3A_200 = arith.addi %mul3A_2, %add3A_199 : i32
    %dma_wait3A_201 = arith.constant 0 : i32
    %dma_wait3A_202 = tpu.memref_slice %arg4[%add3A_200, %dma_wait3A_201] : memref<4096x1024xf32, #tpu.memory_space<hbm>> -> memref<16x1024xf32, #tpu.memory_space<hbm>>
    %dma_wait3A_203 = arith.constant 0 : i32
    %dma_wait3A_204 = tpu.memref_slice %arg4[%add3A_200, %dma_wait3A_203] : memref<4096x1024xf32, #tpu.memory_space<hbm>> -> memref<16x1024xf32, #tpu.memory_space<hbm>>
    tpu.wait_dma2 semaphore(%arg16 : memref<!tpu.dma_semaphore, #tpu.memory_space<semaphore_mem>>) src(%arg8 : memref<16x1024xf32, #tpu.memory_space<vmem>>) dst(%dma_wait3A_204 : memref<16x1024xf32, #tpu.memory_space<hbm>>)
    %add3A_205 = arith.constant 112 : i32
    %add3A_206 = arith.addi %mul3A_2, %add3A_205 : i32
    %dma_wait3A_207 = arith.constant 0 : i32
    %dma_wait3A_208 = tpu.memref_slice %arg4[%add3A_206, %dma_wait3A_207] : memref<4096x1024xf32, #tpu.memory_space<hbm>> -> memref<16x1024xf32, #tpu.memory_space<hbm>>
    %dma_wait3A_209 = arith.constant 0 : i32
    %dma_wait3A_210 = tpu.memref_slice %arg4[%add3A_206, %dma_wait3A_209] : memref<4096x1024xf32, #tpu.memory_space<hbm>> -> memref<16x1024xf32, #tpu.memory_space<hbm>>
    tpu.wait_dma2 semaphore(%arg17 : memref<!tpu.dma_semaphore, #tpu.memory_space<semaphore_mem>>) src(%arg9 : memref<16x1024xf32, #tpu.memory_space<vmem>>) dst(%dma_wait3A_210 : memref<16x1024xf32, #tpu.memory_space<hbm>>)
    return
  }
}

#map = affine_map<(d0, d1) -> (0, 0)>
module attributes {stable_mosaic.version = 14 : i64} {
  func.func @k(%arg0: i32, %arg1: i32, %arg2: memref<4x2048xi32, #tpu.memory_space<hbm>>, %arg3: memref<100000x1024xf32, #tpu.memory_space<hbm>>, %arg4: memref<4096x1024xf32, #tpu.memory_space<hbm>>, %arg5: memref<128xi32, #tpu.memory_space<vmem>>, %arg6: memref<16x1024xf32, #tpu.memory_space<vmem>>, %arg7: memref<16x1024xf32, #tpu.memory_space<vmem>>, %arg8: memref<16x1024xf32, #tpu.memory_space<vmem>>, %arg9: memref<16x1024xf32, #tpu.memory_space<vmem>>, %arg10: memref<!tpu.dma_semaphore, #tpu.memory_space<semaphore_mem>>, %arg11: memref<!tpu.dma_semaphore, #tpu.memory_space<semaphore_mem>>, %arg12: memref<!tpu.dma_semaphore, #tpu.memory_space<semaphore_mem>>, %arg13: memref<!tpu.dma_semaphore, #tpu.memory_space<semaphore_mem>>, %arg14: memref<!tpu.dma_semaphore, #tpu.memory_space<semaphore_mem>>, %arg15: memref<!tpu.dma_semaphore, #tpu.memory_space<semaphore_mem>>, %arg16: memref<!tpu.dma_semaphore, #tpu.memory_space<semaphore_mem>>, %arg17: memref<!tpu.dma_semaphore, #tpu.memory_space<semaphore_mem>>) attributes {dimension_semantics = [#tpu.dimension_semantics<core_parallel>, #tpu.dimension_semantics<subcore_parallel>], iteration_bounds = array<i64: 2, 16>, scalar_prefetch = 0 : i64, scratch_operands = 13 : i64, tpu.core_type = #tpu.core_type<sc_vector_subcore>, window_params = [{transform_indices = #map}, {transform_indices = #map}, {transform_indices = #map}]} {
    %mul3A = arith.constant 2 : i32
    %mul3A_0 = arith.muli %arg1, %mul3A : i32
    %add3A = arith.addi %mul3A_0, %arg0 : i32
    %mul3A_1 = arith.constant 128 : i32
    %mul3A_2 = arith.muli %add3A, %mul3A_1 : i32
    %jit3A = arith.constant 8 : i32
    %div3A = arith.divsi %add3A, %jit3A : i32
    %sign3A = arith.constant 0 : i32
    %sign3A_3 = arith.cmpi sgt, %add3A, %sign3A : i32
    %sign3A_4 = arith.extui %sign3A_3 : i1 to i32
    %sign3A_5 = arith.constant 0 : i32
    %sign3A_6 = arith.cmpi slt, %add3A, %sign3A_5 : i32
    %sign3A_7 = arith.extui %sign3A_6 : i1 to i32
    %sign3A_8 = arith.subi %sign3A_4, %sign3A_7 : i32
    %sign3A_9 = arith.constant 0 : i32
    %sign3A_10 = arith.cmpi sgt, %jit3A, %sign3A_9 : i32
    %sign3A_11 = arith.extui %sign3A_10 : i1 to i32
    %sign3A_12 = arith.constant 0 : i32
    %sign3A_13 = arith.cmpi slt, %jit3A, %sign3A_12 : i32
    %sign3A_14 = arith.extui %sign3A_13 : i1 to i32
    %sign3A_15 = arith.subi %sign3A_11, %sign3A_14 : i32
    %ne3A = arith.cmpi ne, %sign3A_8, %sign3A_15 : i32
    %rem3A = arith.remsi %add3A, %jit3A : i32
    %ne3A_16 = arith.constant 0 : i32
    %ne3A_17 = arith.cmpi ne, %rem3A, %ne3A_16 : i32
    %and3A = arith.andi %ne3A, %ne3A_17 : i1
    %sub3A = arith.constant 1 : i32
    %sub3A_18 = arith.subi %div3A, %sub3A : i32
    %select_n3A = arith.select %and3A, %sub3A_18, %div3A : i32
    %jit3A_19 = arith.constant 8 : i32
    %eq3A = arith.constant 0 : i32
    %eq3A_20 = arith.cmpi eq, %jit3A_19, %eq3A : i32
    %jit3A_21 = arith.constant 1 : i32
    %select_n3A_22 = arith.select %eq3A_20, %jit3A_21, %jit3A_19 : i32
    %rem3A_23 = arith.remsi %add3A, %select_n3A_22 : i32
    %ne3A_24 = arith.constant 0 : i32
    %ne3A_25 = arith.cmpi ne, %rem3A_23, %ne3A_24 : i32
    %lt3A = arith.constant 0 : i32
    %lt3A_26 = arith.cmpi slt, %rem3A_23, %lt3A : i32
    %lt3A_27 = arith.constant 0 : i32
    %lt3A_28 = arith.cmpi slt, %select_n3A_22, %lt3A_27 : i32
    %ne3A_29 = arith.xori %lt3A_26, %lt3A_28 : i1
    %and3A_30 = arith.andi %ne3A_29, %ne3A_25 : i1
    %add3A_31 = arith.addi %rem3A_23, %select_n3A_22 : i32
    %select_n3A_32 = arith.select %and3A_30, %add3A_31, %rem3A_23 : i32
    %mul3A_33 = arith.constant 128 : i32
    %mul3A_34 = arith.muli %select_n3A_32, %mul3A_33 : i32
    %add3A_35 = arith.constant 0 : i32
    %add3A_36 = arith.addi %add3A_35, %mul3A_34 : i32
    "tpu.region"() ({
      %run_scoped3A = tpu.sem_alloc : memref<!tpu.dma_semaphore, #tpu.memory_space<semaphore_mem>>
      %dma_start3A_211 = tpu.memref_slice %arg2[%select_n3A, %add3A_36] : memref<4x2048xi32, #tpu.memory_space<hbm>> -> memref<1x128xi32, #tpu.memory_space<hbm>>
      %dma_start3A_212 = tpu.memref_squeeze %dma_start3A_211 : memref<1x128xi32, #tpu.memory_space<hbm>> -> memref<128xi32, #tpu.memory_space<hbm>>
      %dma_start3A_213 = tpu.memref_slice %arg2[%select_n3A, %add3A_36] : memref<4x2048xi32, #tpu.memory_space<hbm>> -> memref<1x128xi32, #tpu.memory_space<hbm>>
      %dma_start3A_214 = tpu.memref_squeeze %dma_start3A_213 : memref<1x128xi32, #tpu.memory_space<hbm>> -> memref<128xi32, #tpu.memory_space<hbm>>
      tpu.enqueue_dma source(%dma_start3A_214 : memref<128xi32, #tpu.memory_space<hbm>>) target(%arg5 : memref<128xi32, #tpu.memory_space<vmem>>) target_semaphore(%run_scoped3A : memref<!tpu.dma_semaphore, #tpu.memory_space<semaphore_mem>>)
      %dma_wait3A_215 = tpu.memref_slice %arg2[%select_n3A, %add3A_36] : memref<4x2048xi32, #tpu.memory_space<hbm>> -> memref<1x128xi32, #tpu.memory_space<hbm>>
      %dma_wait3A_216 = tpu.memref_squeeze %dma_wait3A_215 : memref<1x128xi32, #tpu.memory_space<hbm>> -> memref<128xi32, #tpu.memory_space<hbm>>
      %dma_wait3A_217 = tpu.memref_slice %arg2[%select_n3A, %add3A_36] : memref<4x2048xi32, #tpu.memory_space<hbm>> -> memref<1x128xi32, #tpu.memory_space<hbm>>
      %dma_wait3A_218 = tpu.memref_squeeze %dma_wait3A_217 : memref<1x128xi32, #tpu.memory_space<hbm>> -> memref<128xi32, #tpu.memory_space<hbm>>
      tpu.wait_dma2 semaphore(%run_scoped3A : memref<!tpu.dma_semaphore, #tpu.memory_space<semaphore_mem>>) src(%dma_wait3A_218 : memref<128xi32, #tpu.memory_space<hbm>>) dst(%arg5 : memref<128xi32, #tpu.memory_space<vmem>>)
      tpu.yield
    }) : () -> ()
    %dma_start3A = arith.constant 0 : i32
    %dma_start3A_37 = tpu.memref_slice %arg5[%dma_start3A] : memref<128xi32, #tpu.memory_space<vmem>> -> memref<16xi32, #tpu.memory_space<vmem>>
    %dma_start3A_38 = arith.constant 0 : i32
    %dma_start3A_39 = arith.constant 0 : i32
    %dma_start3A_40 = tpu.memref_slice %arg3[%dma_start3A_38, %dma_start3A_39] : memref<100000x1024xf32, #tpu.memory_space<hbm>> -> memref<100000x1024xf32, #tpu.memory_space<hbm>>
    tpu.enqueue_indirect_dma source(%dma_start3A_40 : memref<100000x1024xf32, #tpu.memory_space<hbm>>) target(%arg6 : memref<16x1024xf32, #tpu.memory_space<vmem>>) offsets(%dma_start3A_37 : memref<16xi32, #tpu.memory_space<vmem>>) semaphore(%arg10 : memref<!tpu.dma_semaphore, #tpu.memory_space<semaphore_mem>>)
    %dma_start3A_41 = arith.constant 16 : i32
    %dma_start3A_42 = tpu.memref_slice %arg5[%dma_start3A_41] : memref<128xi32, #tpu.memory_space<vmem>> -> memref<16xi32, #tpu.memory_space<vmem>>
    %dma_start3A_43 = arith.constant 0 : i32
    %dma_start3A_44 = arith.constant 0 : i32
    %dma_start3A_45 = tpu.memref_slice %arg3[%dma_start3A_43, %dma_start3A_44] : memref<100000x1024xf32, #tpu.memory_space<hbm>> -> memref<100000x1024xf32, #tpu.memory_space<hbm>>
    tpu.enqueue_indirect_dma source(%dma_start3A_45 : memref<100000x1024xf32, #tpu.memory_space<hbm>>) target(%arg7 : memref<16x1024xf32, #tpu.memory_space<vmem>>) offsets(%dma_start3A_42 : memref<16xi32, #tpu.memory_space<vmem>>) semaphore(%arg11 : memref<!tpu.dma_semaphore, #tpu.memory_space<semaphore_mem>>)
    %dma_start3A_46 = arith.constant 32 : i32
    %dma_start3A_47 = tpu.memref_slice %arg5[%dma_start3A_46] : memref<128xi32, #tpu.memory_space<vmem>> -> memref<16xi32, #tpu.memory_space<vmem>>
    %dma_start3A_48 = arith.constant 0 : i32
    %dma_start3A_49 = arith.constant 0 : i32
    %dma_start3A_50 = tpu.memref_slice %arg3[%dma_start3A_48, %dma_start3A_49] : memref<100000x1024xf32, #tpu.memory_space<hbm>> -> memref<100000x1024xf32, #tpu.memory_space<hbm>>
    tpu.enqueue_indirect_dma source(%dma_start3A_50 : memref<100000x1024xf32, #tpu.memory_space<hbm>>) target(%arg8 : memref<16x1024xf32, #tpu.memory_space<vmem>>) offsets(%dma_start3A_47 : memref<16xi32, #tpu.memory_space<vmem>>) semaphore(%arg12 : memref<!tpu.dma_semaphore, #tpu.memory_space<semaphore_mem>>)
    %dma_wait3A = arith.constant 0 : i32
    %dma_wait3A_51 = tpu.memref_slice %arg5[%dma_wait3A] : memref<128xi32, #tpu.memory_space<vmem>> -> memref<16xi32, #tpu.memory_space<vmem>>
    %dma_wait3A_52 = arith.constant 0 : i32
    %dma_wait3A_53 = arith.constant 0 : i32
    %dma_wait3A_54 = tpu.memref_slice %arg3[%dma_wait3A_52, %dma_wait3A_53] : memref<100000x1024xf32, #tpu.memory_space<hbm>> -> memref<100000x1024xf32, #tpu.memory_space<hbm>>
    tpu.wait_indirect_dma semaphore(%arg10 : memref<!tpu.dma_semaphore, #tpu.memory_space<semaphore_mem>>) src(%dma_wait3A_54 : memref<100000x1024xf32, #tpu.memory_space<hbm>>) dst(%arg6 : memref<16x1024xf32, #tpu.memory_space<vmem>>)
    %dma_start3A_55 = arith.constant 48 : i32
    %dma_start3A_56 = tpu.memref_slice %arg5[%dma_start3A_55] : memref<128xi32, #tpu.memory_space<vmem>> -> memref<16xi32, #tpu.memory_space<vmem>>
    %dma_start3A_57 = arith.constant 0 : i32
    %dma_start3A_58 = arith.constant 0 : i32
    %dma_start3A_59 = tpu.memref_slice %arg3[%dma_start3A_57, %dma_start3A_58] : memref<100000x1024xf32, #tpu.memory_space<hbm>> -> memref<100000x1024xf32, #tpu.memory_space<hbm>>
    tpu.enqueue_indirect_dma source(%dma_start3A_59 : memref<100000x1024xf32, #tpu.memory_space<hbm>>) target(%arg9 : memref<16x1024xf32, #tpu.memory_space<vmem>>) offsets(%dma_start3A_56 : memref<16xi32, #tpu.memory_space<vmem>>) semaphore(%arg13 : memref<!tpu.dma_semaphore, #tpu.memory_space<semaphore_mem>>)
    %add3A_60 = arith.constant 0 : i32
    %add3A_61 = arith.addi %mul3A_2, %add3A_60 : i32
    %dma_start3A_62 = arith.constant 0 : i32
    %dma_start3A_63 = tpu.memref_slice %arg4[%add3A_61, %dma_start3A_62] : memref<4096x1024xf32, #tpu.memory_space<hbm>> -> memref<16x1024xf32, #tpu.memory_space<hbm>>
    %dma_start3A_64 = arith.constant 0 : i32
    %dma_start3A_65 = tpu.memref_slice %arg4[%add3A_61, %dma_start3A_64] : memref<4096x1024xf32, #tpu.memory_space<hbm>> -> memref<16x1024xf32, #tpu.memory_space<hbm>>
    tpu.enqueue_dma source(%arg6 : memref<16x1024xf32, #tpu.memory_space<vmem>>) target(%dma_start3A_65 : memref<16x1024xf32, #tpu.memory_space<hbm>>) target_semaphore(%arg14 : memref<!tpu.dma_semaphore, #tpu.memory_space<semaphore_mem>>)
    %dma_wait3A_66 = arith.constant 16 : i32
    %dma_wait3A_67 = tpu.memref_slice %arg5[%dma_wait3A_66] : memref<128xi32, #tpu.memory_space<vmem>> -> memref<16xi32, #tpu.memory_space<vmem>>
    %dma_wait3A_68 = arith.constant 0 : i32
    %dma_wait3A_69 = arith.constant 0 : i32
    %dma_wait3A_70 = tpu.memref_slice %arg3[%dma_wait3A_68, %dma_wait3A_69] : memref<100000x1024xf32, #tpu.memory_space<hbm>> -> memref<100000x1024xf32, #tpu.memory_space<hbm>>
    tpu.wait_indirect_dma semaphore(%arg11 : memref<!tpu.dma_semaphore, #tpu.memory_space<semaphore_mem>>) src(%dma_wait3A_70 : memref<100000x1024xf32, #tpu.memory_space<hbm>>) dst(%arg7 : memref<16x1024xf32, #tpu.memory_space<vmem>>)
    %add3A_71 = arith.constant 0 : i32
    %add3A_72 = arith.addi %mul3A_2, %add3A_71 : i32
    %dma_wait3A_73 = arith.constant 0 : i32
    %dma_wait3A_74 = tpu.memref_slice %arg4[%add3A_72, %dma_wait3A_73] : memref<4096x1024xf32, #tpu.memory_space<hbm>> -> memref<16x1024xf32, #tpu.memory_space<hbm>>
    %dma_wait3A_75 = arith.constant 0 : i32
    %dma_wait3A_76 = tpu.memref_slice %arg4[%add3A_72, %dma_wait3A_75] : memref<4096x1024xf32, #tpu.memory_space<hbm>> -> memref<16x1024xf32, #tpu.memory_space<hbm>>
    tpu.wait_dma2 semaphore(%arg14 : memref<!tpu.dma_semaphore, #tpu.memory_space<semaphore_mem>>) src(%arg6 : memref<16x1024xf32, #tpu.memory_space<vmem>>) dst(%dma_wait3A_76 : memref<16x1024xf32, #tpu.memory_space<hbm>>)
    %dma_start3A_77 = arith.constant 64 : i32
    %dma_start3A_78 = tpu.memref_slice %arg5[%dma_start3A_77] : memref<128xi32, #tpu.memory_space<vmem>> -> memref<16xi32, #tpu.memory_space<vmem>>
    %dma_start3A_79 = arith.constant 0 : i32
    %dma_start3A_80 = arith.constant 0 : i32
    %dma_start3A_81 = tpu.memref_slice %arg3[%dma_start3A_79, %dma_start3A_80] : memref<100000x1024xf32, #tpu.memory_space<hbm>> -> memref<100000x1024xf32, #tpu.memory_space<hbm>>
    tpu.enqueue_indirect_dma source(%dma_start3A_81 : memref<100000x1024xf32, #tpu.memory_space<hbm>>) target(%arg6 : memref<16x1024xf32, #tpu.memory_space<vmem>>) offsets(%dma_start3A_78 : memref<16xi32, #tpu.memory_space<vmem>>) semaphore(%arg10 : memref<!tpu.dma_semaphore, #tpu.memory_space<semaphore_mem>>)
    %add3A_82 = arith.constant 16 : i32
    %add3A_83 = arith.addi %mul3A_2, %add3A_82 : i32
    %dma_start3A_84 = arith.constant 0 : i32
    %dma_start3A_85 = tpu.memref_slice %arg4[%add3A_83, %dma_start3A_84] : memref<4096x1024xf32, #tpu.memory_space<hbm>> -> memref<16x1024xf32, #tpu.memory_space<hbm>>
    %dma_start3A_86 = arith.constant 0 : i32
    %dma_start3A_87 = tpu.memref_slice %arg4[%add3A_83, %dma_start3A_86] : memref<4096x1024xf32, #tpu.memory_space<hbm>> -> memref<16x1024xf32, #tpu.memory_space<hbm>>
    tpu.enqueue_dma source(%arg7 : memref<16x1024xf32, #tpu.memory_space<vmem>>) target(%dma_start3A_87 : memref<16x1024xf32, #tpu.memory_space<hbm>>) target_semaphore(%arg15 : memref<!tpu.dma_semaphore, #tpu.memory_space<semaphore_mem>>)
    %dma_wait3A_88 = arith.constant 32 : i32
    %dma_wait3A_89 = tpu.memref_slice %arg5[%dma_wait3A_88] : memref<128xi32, #tpu.memory_space<vmem>> -> memref<16xi32, #tpu.memory_space<vmem>>
    %dma_wait3A_90 = arith.constant 0 : i32
    %dma_wait3A_91 = arith.constant 0 : i32
    %dma_wait3A_92 = tpu.memref_slice %arg3[%dma_wait3A_90, %dma_wait3A_91] : memref<100000x1024xf32, #tpu.memory_space<hbm>> -> memref<100000x1024xf32, #tpu.memory_space<hbm>>
    tpu.wait_indirect_dma semaphore(%arg12 : memref<!tpu.dma_semaphore, #tpu.memory_space<semaphore_mem>>) src(%dma_wait3A_92 : memref<100000x1024xf32, #tpu.memory_space<hbm>>) dst(%arg8 : memref<16x1024xf32, #tpu.memory_space<vmem>>)
    %add3A_93 = arith.constant 16 : i32
    %add3A_94 = arith.addi %mul3A_2, %add3A_93 : i32
    %dma_wait3A_95 = arith.constant 0 : i32
    %dma_wait3A_96 = tpu.memref_slice %arg4[%add3A_94, %dma_wait3A_95] : memref<4096x1024xf32, #tpu.memory_space<hbm>> -> memref<16x1024xf32, #tpu.memory_space<hbm>>
    %dma_wait3A_97 = arith.constant 0 : i32
    %dma_wait3A_98 = tpu.memref_slice %arg4[%add3A_94, %dma_wait3A_97] : memref<4096x1024xf32, #tpu.memory_space<hbm>> -> memref<16x1024xf32, #tpu.memory_space<hbm>>
    tpu.wait_dma2 semaphore(%arg15 : memref<!tpu.dma_semaphore, #tpu.memory_space<semaphore_mem>>) src(%arg7 : memref<16x1024xf32, #tpu.memory_space<vmem>>) dst(%dma_wait3A_98 : memref<16x1024xf32, #tpu.memory_space<hbm>>)
    %dma_start3A_99 = arith.constant 80 : i32
    %dma_start3A_100 = tpu.memref_slice %arg5[%dma_start3A_99] : memref<128xi32, #tpu.memory_space<vmem>> -> memref<16xi32, #tpu.memory_space<vmem>>
    %dma_start3A_101 = arith.constant 0 : i32
    %dma_start3A_102 = arith.constant 0 : i32
    %dma_start3A_103 = tpu.memref_slice %arg3[%dma_start3A_101, %dma_start3A_102] : memref<100000x1024xf32, #tpu.memory_space<hbm>> -> memref<100000x1024xf32, #tpu.memory_space<hbm>>
    tpu.enqueue_indirect_dma source(%dma_start3A_103 : memref<100000x1024xf32, #tpu.memory_space<hbm>>) target(%arg7 : memref<16x1024xf32, #tpu.memory_space<vmem>>) offsets(%dma_start3A_100 : memref<16xi32, #tpu.memory_space<vmem>>) semaphore(%arg11 : memref<!tpu.dma_semaphore, #tpu.memory_space<semaphore_mem>>)
    %add3A_104 = arith.constant 32 : i32
    %add3A_105 = arith.addi %mul3A_2, %add3A_104 : i32
    %dma_start3A_106 = arith.constant 0 : i32
    %dma_start3A_107 = tpu.memref_slice %arg4[%add3A_105, %dma_start3A_106] : memref<4096x1024xf32, #tpu.memory_space<hbm>> -> memref<16x1024xf32, #tpu.memory_space<hbm>>
    %dma_start3A_108 = arith.constant 0 : i32
    %dma_start3A_109 = tpu.memref_slice %arg4[%add3A_105, %dma_start3A_108] : memref<4096x1024xf32, #tpu.memory_space<hbm>> -> memref<16x1024xf32, #tpu.memory_space<hbm>>
    tpu.enqueue_dma source(%arg8 : memref<16x1024xf32, #tpu.memory_space<vmem>>) target(%dma_start3A_109 : memref<16x1024xf32, #tpu.memory_space<hbm>>) target_semaphore(%arg16 : memref<!tpu.dma_semaphore, #tpu.memory_space<semaphore_mem>>)
    %dma_wait3A_110 = arith.constant 48 : i32
    %dma_wait3A_111 = tpu.memref_slice %arg5[%dma_wait3A_110] : memref<128xi32, #tpu.memory_space<vmem>> -> memref<16xi32, #tpu.memory_space<vmem>>
    %dma_wait3A_112 = arith.constant 0 : i32
    %dma_wait3A_113 = arith.constant 0 : i32
    %dma_wait3A_114 = tpu.memref_slice %arg3[%dma_wait3A_112, %dma_wait3A_113] : memref<100000x1024xf32, #tpu.memory_space<hbm>> -> memref<100000x1024xf32, #tpu.memory_space<hbm>>
    tpu.wait_indirect_dma semaphore(%arg13 : memref<!tpu.dma_semaphore, #tpu.memory_space<semaphore_mem>>) src(%dma_wait3A_114 : memref<100000x1024xf32, #tpu.memory_space<hbm>>) dst(%arg9 : memref<16x1024xf32, #tpu.memory_space<vmem>>)
    %add3A_115 = arith.constant 32 : i32
    %add3A_116 = arith.addi %mul3A_2, %add3A_115 : i32
    %dma_wait3A_117 = arith.constant 0 : i32
    %dma_wait3A_118 = tpu.memref_slice %arg4[%add3A_116, %dma_wait3A_117] : memref<4096x1024xf32, #tpu.memory_space<hbm>> -> memref<16x1024xf32, #tpu.memory_space<hbm>>
    %dma_wait3A_119 = arith.constant 0 : i32
    %dma_wait3A_120 = tpu.memref_slice %arg4[%add3A_116, %dma_wait3A_119] : memref<4096x1024xf32, #tpu.memory_space<hbm>> -> memref<16x1024xf32, #tpu.memory_space<hbm>>
    tpu.wait_dma2 semaphore(%arg16 : memref<!tpu.dma_semaphore, #tpu.memory_space<semaphore_mem>>) src(%arg8 : memref<16x1024xf32, #tpu.memory_space<vmem>>) dst(%dma_wait3A_120 : memref<16x1024xf32, #tpu.memory_space<hbm>>)
    %dma_start3A_121 = arith.constant 96 : i32
    %dma_start3A_122 = tpu.memref_slice %arg5[%dma_start3A_121] : memref<128xi32, #tpu.memory_space<vmem>> -> memref<16xi32, #tpu.memory_space<vmem>>
    %dma_start3A_123 = arith.constant 0 : i32
    %dma_start3A_124 = arith.constant 0 : i32
    %dma_start3A_125 = tpu.memref_slice %arg3[%dma_start3A_123, %dma_start3A_124] : memref<100000x1024xf32, #tpu.memory_space<hbm>> -> memref<100000x1024xf32, #tpu.memory_space<hbm>>
    tpu.enqueue_indirect_dma source(%dma_start3A_125 : memref<100000x1024xf32, #tpu.memory_space<hbm>>) target(%arg8 : memref<16x1024xf32, #tpu.memory_space<vmem>>) offsets(%dma_start3A_122 : memref<16xi32, #tpu.memory_space<vmem>>) semaphore(%arg12 : memref<!tpu.dma_semaphore, #tpu.memory_space<semaphore_mem>>)
    %add3A_126 = arith.constant 48 : i32
    %add3A_127 = arith.addi %mul3A_2, %add3A_126 : i32
    %dma_start3A_128 = arith.constant 0 : i32
    %dma_start3A_129 = tpu.memref_slice %arg4[%add3A_127, %dma_start3A_128] : memref<4096x1024xf32, #tpu.memory_space<hbm>> -> memref<16x1024xf32, #tpu.memory_space<hbm>>
    %dma_start3A_130 = arith.constant 0 : i32
    %dma_start3A_131 = tpu.memref_slice %arg4[%add3A_127, %dma_start3A_130] : memref<4096x1024xf32, #tpu.memory_space<hbm>> -> memref<16x1024xf32, #tpu.memory_space<hbm>>
    tpu.enqueue_dma source(%arg9 : memref<16x1024xf32, #tpu.memory_space<vmem>>) target(%dma_start3A_131 : memref<16x1024xf32, #tpu.memory_space<hbm>>) target_semaphore(%arg17 : memref<!tpu.dma_semaphore, #tpu.memory_space<semaphore_mem>>)
    %dma_wait3A_132 = arith.constant 64 : i32
    %dma_wait3A_133 = tpu.memref_slice %arg5[%dma_wait3A_132] : memref<128xi32, #tpu.memory_space<vmem>> -> memref<16xi32, #tpu.memory_space<vmem>>
    %dma_wait3A_134 = arith.constant 0 : i32
    %dma_wait3A_135 = arith.constant 0 : i32
    %dma_wait3A_136 = tpu.memref_slice %arg3[%dma_wait3A_134, %dma_wait3A_135] : memref<100000x1024xf32, #tpu.memory_space<hbm>> -> memref<100000x1024xf32, #tpu.memory_space<hbm>>
    tpu.wait_indirect_dma semaphore(%arg10 : memref<!tpu.dma_semaphore, #tpu.memory_space<semaphore_mem>>) src(%dma_wait3A_136 : memref<100000x1024xf32, #tpu.memory_space<hbm>>) dst(%arg6 : memref<16x1024xf32, #tpu.memory_space<vmem>>)
    %add3A_137 = arith.constant 48 : i32
    %add3A_138 = arith.addi %mul3A_2, %add3A_137 : i32
    %dma_wait3A_139 = arith.constant 0 : i32
    %dma_wait3A_140 = tpu.memref_slice %arg4[%add3A_138, %dma_wait3A_139] : memref<4096x1024xf32, #tpu.memory_space<hbm>> -> memref<16x1024xf32, #tpu.memory_space<hbm>>
    %dma_wait3A_141 = arith.constant 0 : i32
    %dma_wait3A_142 = tpu.memref_slice %arg4[%add3A_138, %dma_wait3A_141] : memref<4096x1024xf32, #tpu.memory_space<hbm>> -> memref<16x1024xf32, #tpu.memory_space<hbm>>
    tpu.wait_dma2 semaphore(%arg17 : memref<!tpu.dma_semaphore, #tpu.memory_space<semaphore_mem>>) src(%arg9 : memref<16x1024xf32, #tpu.memory_space<vmem>>) dst(%dma_wait3A_142 : memref<16x1024xf32, #tpu.memory_space<hbm>>)
    %dma_start3A_143 = arith.constant 112 : i32
    %dma_start3A_144 = tpu.memref_slice %arg5[%dma_start3A_143] : memref<128xi32, #tpu.memory_space<vmem>> -> memref<16xi32, #tpu.memory_space<vmem>>
    %dma_start3A_145 = arith.constant 0 : i32
    %dma_start3A_146 = arith.constant 0 : i32
    %dma_start3A_147 = tpu.memref_slice %arg3[%dma_start3A_145, %dma_start3A_146] : memref<100000x1024xf32, #tpu.memory_space<hbm>> -> memref<100000x1024xf32, #tpu.memory_space<hbm>>
    tpu.enqueue_indirect_dma source(%dma_start3A_147 : memref<100000x1024xf32, #tpu.memory_space<hbm>>) target(%arg9 : memref<16x1024xf32, #tpu.memory_space<vmem>>) offsets(%dma_start3A_144 : memref<16xi32, #tpu.memory_space<vmem>>) semaphore(%arg13 : memref<!tpu.dma_semaphore, #tpu.memory_space<semaphore_mem>>)
    %add3A_148 = arith.constant 64 : i32
    %add3A_149 = arith.addi %mul3A_2, %add3A_148 : i32
    %dma_start3A_150 = arith.constant 0 : i32
    %dma_start3A_151 = tpu.memref_slice %arg4[%add3A_149, %dma_start3A_150] : memref<4096x1024xf32, #tpu.memory_space<hbm>> -> memref<16x1024xf32, #tpu.memory_space<hbm>>
    %dma_start3A_152 = arith.constant 0 : i32
    %dma_start3A_153 = tpu.memref_slice %arg4[%add3A_149, %dma_start3A_152] : memref<4096x1024xf32, #tpu.memory_space<hbm>> -> memref<16x1024xf32, #tpu.memory_space<hbm>>
    tpu.enqueue_dma source(%arg6 : memref<16x1024xf32, #tpu.memory_space<vmem>>) target(%dma_start3A_153 : memref<16x1024xf32, #tpu.memory_space<hbm>>) target_semaphore(%arg14 : memref<!tpu.dma_semaphore, #tpu.memory_space<semaphore_mem>>)
    %dma_wait3A_154 = arith.constant 80 : i32
    %dma_wait3A_155 = tpu.memref_slice %arg5[%dma_wait3A_154] : memref<128xi32, #tpu.memory_space<vmem>> -> memref<16xi32, #tpu.memory_space<vmem>>
    %dma_wait3A_156 = arith.constant 0 : i32
    %dma_wait3A_157 = arith.constant 0 : i32
    %dma_wait3A_158 = tpu.memref_slice %arg3[%dma_wait3A_156, %dma_wait3A_157] : memref<100000x1024xf32, #tpu.memory_space<hbm>> -> memref<100000x1024xf32, #tpu.memory_space<hbm>>
    tpu.wait_indirect_dma semaphore(%arg11 : memref<!tpu.dma_semaphore, #tpu.memory_space<semaphore_mem>>) src(%dma_wait3A_158 : memref<100000x1024xf32, #tpu.memory_space<hbm>>) dst(%arg7 : memref<16x1024xf32, #tpu.memory_space<vmem>>)
    %add3A_159 = arith.constant 80 : i32
    %add3A_160 = arith.addi %mul3A_2, %add3A_159 : i32
    %dma_start3A_161 = arith.constant 0 : i32
    %dma_start3A_162 = tpu.memref_slice %arg4[%add3A_160, %dma_start3A_161] : memref<4096x1024xf32, #tpu.memory_space<hbm>> -> memref<16x1024xf32, #tpu.memory_space<hbm>>
    %dma_start3A_163 = arith.constant 0 : i32
    %dma_start3A_164 = tpu.memref_slice %arg4[%add3A_160, %dma_start3A_163] : memref<4096x1024xf32, #tpu.memory_space<hbm>> -> memref<16x1024xf32, #tpu.memory_space<hbm>>
    tpu.enqueue_dma source(%arg7 : memref<16x1024xf32, #tpu.memory_space<vmem>>) target(%dma_start3A_164 : memref<16x1024xf32, #tpu.memory_space<hbm>>) target_semaphore(%arg15 : memref<!tpu.dma_semaphore, #tpu.memory_space<semaphore_mem>>)
    %dma_wait3A_165 = arith.constant 96 : i32
    %dma_wait3A_166 = tpu.memref_slice %arg5[%dma_wait3A_165] : memref<128xi32, #tpu.memory_space<vmem>> -> memref<16xi32, #tpu.memory_space<vmem>>
    %dma_wait3A_167 = arith.constant 0 : i32
    %dma_wait3A_168 = arith.constant 0 : i32
    %dma_wait3A_169 = tpu.memref_slice %arg3[%dma_wait3A_167, %dma_wait3A_168] : memref<100000x1024xf32, #tpu.memory_space<hbm>> -> memref<100000x1024xf32, #tpu.memory_space<hbm>>
    tpu.wait_indirect_dma semaphore(%arg12 : memref<!tpu.dma_semaphore, #tpu.memory_space<semaphore_mem>>) src(%dma_wait3A_169 : memref<100000x1024xf32, #tpu.memory_space<hbm>>) dst(%arg8 : memref<16x1024xf32, #tpu.memory_space<vmem>>)
    %add3A_170 = arith.constant 96 : i32
    %add3A_171 = arith.addi %mul3A_2, %add3A_170 : i32
    %dma_start3A_172 = arith.constant 0 : i32
    %dma_start3A_173 = tpu.memref_slice %arg4[%add3A_171, %dma_start3A_172] : memref<4096x1024xf32, #tpu.memory_space<hbm>> -> memref<16x1024xf32, #tpu.memory_space<hbm>>
    %dma_start3A_174 = arith.constant 0 : i32
    %dma_start3A_175 = tpu.memref_slice %arg4[%add3A_171, %dma_start3A_174] : memref<4096x1024xf32, #tpu.memory_space<hbm>> -> memref<16x1024xf32, #tpu.memory_space<hbm>>
    tpu.enqueue_dma source(%arg8 : memref<16x1024xf32, #tpu.memory_space<vmem>>) target(%dma_start3A_175 : memref<16x1024xf32, #tpu.memory_space<hbm>>) target_semaphore(%arg16 : memref<!tpu.dma_semaphore, #tpu.memory_space<semaphore_mem>>)
    %dma_wait3A_176 = arith.constant 112 : i32
    %dma_wait3A_177 = tpu.memref_slice %arg5[%dma_wait3A_176] : memref<128xi32, #tpu.memory_space<vmem>> -> memref<16xi32, #tpu.memory_space<vmem>>
    %dma_wait3A_178 = arith.constant 0 : i32
    %dma_wait3A_179 = arith.constant 0 : i32
    %dma_wait3A_180 = tpu.memref_slice %arg3[%dma_wait3A_178, %dma_wait3A_179] : memref<100000x1024xf32, #tpu.memory_space<hbm>> -> memref<100000x1024xf32, #tpu.memory_space<hbm>>
    tpu.wait_indirect_dma semaphore(%arg13 : memref<!tpu.dma_semaphore, #tpu.memory_space<semaphore_mem>>) src(%dma_wait3A_180 : memref<100000x1024xf32, #tpu.memory_space<hbm>>) dst(%arg9 : memref<16x1024xf32, #tpu.memory_space<vmem>>)
    %add3A_181 = arith.constant 112 : i32
    %add3A_182 = arith.addi %mul3A_2, %add3A_181 : i32
    %dma_start3A_183 = arith.constant 0 : i32
    %dma_start3A_184 = tpu.memref_slice %arg4[%add3A_182, %dma_start3A_183] : memref<4096x1024xf32, #tpu.memory_space<hbm>> -> memref<16x1024xf32, #tpu.memory_space<hbm>>
    %dma_start3A_185 = arith.constant 0 : i32
    %dma_start3A_186 = tpu.memref_slice %arg4[%add3A_182, %dma_start3A_185] : memref<4096x1024xf32, #tpu.memory_space<hbm>> -> memref<16x1024xf32, #tpu.memory_space<hbm>>
    tpu.enqueue_dma source(%arg9 : memref<16x1024xf32, #tpu.memory_space<vmem>>) target(%dma_start3A_186 : memref<16x1024xf32, #tpu.memory_space<hbm>>) target_semaphore(%arg17 : memref<!tpu.dma_semaphore, #tpu.memory_space<semaphore_mem>>)
    %add3A_187 = arith.constant 64 : i32
    %add3A_188 = arith.addi %mul3A_2, %add3A_187 : i32
    %dma_wait3A_189 = arith.constant 0 : i32
    %dma_wait3A_190 = tpu.memref_slice %arg4[%add3A_188, %dma_wait3A_189] : memref<4096x1024xf32, #tpu.memory_space<hbm>> -> memref<16x1024xf32, #tpu.memory_space<hbm>>
    %dma_wait3A_191 = arith.constant 0 : i32
    %dma_wait3A_192 = tpu.memref_slice %arg4[%add3A_188, %dma_wait3A_191] : memref<4096x1024xf32, #tpu.memory_space<hbm>> -> memref<16x1024xf32, #tpu.memory_space<hbm>>
    tpu.wait_dma2 semaphore(%arg14 : memref<!tpu.dma_semaphore, #tpu.memory_space<semaphore_mem>>) src(%arg6 : memref<16x1024xf32, #tpu.memory_space<vmem>>) dst(%dma_wait3A_192 : memref<16x1024xf32, #tpu.memory_space<hbm>>)
    %add3A_193 = arith.constant 80 : i32
    %add3A_194 = arith.addi %mul3A_2, %add3A_193 : i32
    %dma_wait3A_195 = arith.constant 0 : i32
    %dma_wait3A_196 = tpu.memref_slice %arg4[%add3A_194, %dma_wait3A_195] : memref<4096x1024xf32, #tpu.memory_space<hbm>> -> memref<16x1024xf32, #tpu.memory_space<hbm>>
    %dma_wait3A_197 = arith.constant 0 : i32
    %dma_wait3A_198 = tpu.memref_slice %arg4[%add3A_194, %dma_wait3A_197] : memref<4096x1024xf32, #tpu.memory_space<hbm>> -> memref<16x1024xf32, #tpu.memory_space<hbm>>
    tpu.wait_dma2 semaphore(%arg15 : memref<!tpu.dma_semaphore, #tpu.memory_space<semaphore_mem>>) src(%arg7 : memref<16x1024xf32, #tpu.memory_space<vmem>>) dst(%dma_wait3A_198 : memref<16x1024xf32, #tpu.memory_space<hbm>>)
    %add3A_199 = arith.constant 96 : i32
    %add3A_200 = arith.addi %mul3A_2, %add3A_199 : i32
    %dma_wait3A_201 = arith.constant 0 : i32
    %dma_wait3A_202 = tpu.memref_slice %arg4[%add3A_200, %dma_wait3A_201] : memref<4096x1024xf32, #tpu.memory_space<hbm>> -> memref<16x1024xf32, #tpu.memory_space<hbm>>
    %dma_wait3A_203 = arith.constant 0 : i32
    %dma_wait3A_204 = tpu.memref_slice %arg4[%add3A_200, %dma_wait3A_203] : memref<4096x1024xf32, #tpu.memory_space<hbm>> -> memref<16x1024xf32, #tpu.memory_space<hbm>>
    tpu.wait_dma2 semaphore(%arg16 : memref<!tpu.dma_semaphore, #tpu.memory_space<semaphore_mem>>) src(%arg8 : memref<16x1024xf32, #tpu.memory_space<vmem>>) dst(%dma_wait3A_204 : memref<16x1024xf32, #tpu.memory_space<hbm>>)
    %add3A_205 = arith.constant 112 : i32
    %add3A_206 = arith.addi %mul3A_2, %add3A_205 : i32
    %dma_wait3A_207 = arith.constant 0 : i32
    %dma_wait3A_208 = tpu.memref_slice %arg4[%add3A_206, %dma_wait3A_207] : memref<4096x1024xf32, #tpu.memory_space<hbm>> -> memref<16x1024xf32, #tpu.memory_space<hbm>>
    %dma_wait3A_209 = arith.constant 0 : i32
    %dma_wait3A_210 = tpu.memref_slice %arg4[%add3A_206, %dma_wait3A_209] : memref<4096x1024xf32, #tpu.memory_space<hbm>> -> memref<16x1024xf32, #tpu.memory_space<hbm>>
    tpu.wait_dma2 semaphore(%arg17 : memref<!tpu.dma_semaphore, #tpu.memory_space<semaphore_mem>>) src(%arg9 : memref<16x1024xf32, #tpu.memory_space<vmem>>) dst(%dma_wait3A_210 : memref<16x1024xf32, #tpu.memory_space<hbm>>)
    return
  }
}

module attributes {stable_mosaic.version = 14 : i64} {
  func.func @body(%arg0: i32, %arg1: memref<1024x1024xf32, #tpu.memory_space<vmem>>, %arg2: memref<1024x1024xf32, #tpu.memory_space<vmem>>, %arg3: memref<1x1024xf32, #tpu.memory_space<vmem>>, %arg4: memref<1x1024xf32, #tpu.memory_space<vmem>>, %arg5: memref<8192x1024xf32, #tpu.memory_space<any>>, %arg6: memref<1024x1024xf32, #tpu.memory_space<vmem>>) attributes {dimension_semantics = [#tpu.dimension_semantics<arbitrary>], iteration_bounds = array<i64: 4>, scalar_prefetch = 0 : i64, scratch_operands = 0 : i64, tpu.core_type = #tpu.core_type<tc>, window_params = [{transform_indices = @transform_0, window_bounds = array<i64: 1024, 1024>}, {transform_indices = @transform_1, window_bounds = array<i64: 1024, 1024>}, {pipeline_mode = #tpu.pipeline_mode<synchronous>, transform_indices = @transform_2, window_bounds = array<i64: 1, 1024>}, {pipeline_mode = #tpu.pipeline_mode<synchronous>, transform_indices = @transform_3, window_bounds = array<i64: 1, 1024>}, {}, {transform_indices = @transform_5, window_bounds = array<i64: 1024, 1024>}]} {
    %get3A = arith.constant 0 : index
    %get3A_0 = arith.constant 0 : index
    %get3A_1 = vector.load %arg1[%get3A, %get3A_0] : memref<1024x1024xf32, #tpu.memory_space<vmem>>, vector<1024x1024xf32>
    %mul3A = arith.constant 3.200000e+01 : f32
    %mul3A_2 = vector.broadcast %mul3A : f32 to vector<1024x1024xf32>
    %mul3A_3 = arith.mulf %get3A_1, %mul3A_2 : vector<1024x1024xf32>
    %get3A_4 = arith.constant 0 : index
    %get3A_5 = arith.constant 0 : index
    %get3A_6 = vector.load %arg2[%get3A_4, %get3A_5] : memref<1024x1024xf32, #tpu.memory_space<vmem>>, vector<1024x1024xf32>
    %add3A = arith.addf %mul3A_3, %get3A_6 : vector<1024x1024xf32>
    %reduce_sum3A = arith.constant dense<0.000000e+00> : vector<1024xf32>
    %reduce_sum3A_7 = vector.multi_reduction <add>, %add3A, %reduce_sum3A [1] : vector<1024x1024xf32> to vector<1024xf32>
    %broadcast_in_dim3A = vector.shape_cast %reduce_sum3A_7 : vector<1024xf32> to vector<1024x1xf32>
    %div3A = arith.constant 1.024000e+03 : f32
    %div3A_8 = vector.broadcast %div3A : f32 to vector<1024x1xf32>
    %div3A_9 = arith.divf %broadcast_in_dim3A, %div3A_8 : vector<1024x1xf32>
    %sub3A = vector.broadcast %div3A_9 : vector<1024x1xf32> to vector<1024x1024xf32>
    %sub3A_10 = arith.subf %add3A, %sub3A : vector<1024x1024xf32>
    %integer_pow3A = arith.mulf %sub3A_10, %sub3A_10 : vector<1024x1024xf32>
    %reduce_sum3A_11 = arith.constant dense<0.000000e+00> : vector<1024xf32>
    %reduce_sum3A_12 = vector.multi_reduction <add>, %integer_pow3A, %reduce_sum3A_11 [1] : vector<1024x1024xf32> to vector<1024xf32>
    %broadcast_in_dim3A_13 = vector.shape_cast %reduce_sum3A_12 : vector<1024xf32> to vector<1024x1xf32>
    %div3A_14 = arith.constant 1.024000e+03 : f32
    %div3A_15 = vector.broadcast %div3A_14 : f32 to vector<1024x1xf32>
    %div3A_16 = arith.divf %broadcast_in_dim3A_13, %div3A_15 : vector<1024x1xf32>
    %sub3A_17 = vector.broadcast %div3A_9 : vector<1024x1xf32> to vector<1024x1024xf32>
    %sub3A_18 = arith.subf %add3A, %sub3A_17 : vector<1024x1024xf32>
    %add3A_19 = arith.constant 9.99999996E-13 : f32
    %add3A_20 = vector.broadcast %add3A_19 : f32 to vector<1024x1xf32>
    %add3A_21 = arith.addf %div3A_16, %add3A_20 : vector<1024x1xf32>
    %sqrt3A = math.sqrt %add3A_21 : vector<1024x1xf32>
    %div3A_22 = vector.broadcast %sqrt3A : vector<1024x1xf32> to vector<1024x1024xf32>
    %div3A_23 = arith.divf %sub3A_18, %div3A_22 : vector<1024x1024xf32>
    %get3A_24 = arith.constant 0 : index
    %get3A_25 = arith.constant 0 : index
    %get3A_26 = vector.load %arg3[%get3A_24, %get3A_25] : memref<1x1024xf32, #tpu.memory_space<vmem>>, vector<1x1024xf32>
    %mul3A_27 = vector.broadcast %get3A_26 : vector<1x1024xf32> to vector<1024x1024xf32>
    %mul3A_28 = arith.mulf %div3A_23, %mul3A_27 : vector<1024x1024xf32>
    %get3A_29 = arith.constant 0 : index
    %get3A_30 = arith.constant 0 : index
    %get3A_31 = vector.load %arg4[%get3A_29, %get3A_30] : memref<1x1024xf32, #tpu.memory_space<vmem>>, vector<1x1024xf32>
    %add3A_32 = vector.broadcast %get3A_31 : vector<1x1024xf32> to vector<1024x1024xf32>
    %add3A_33 = arith.addf %mul3A_28, %add3A_32 : vector<1024x1024xf32>
    %swap3A = arith.constant 0 : index
    %swap3A_34 = arith.constant 0 : index
    %swap3A_35 = vector.load %arg6[%swap3A, %swap3A_34] : memref<1024x1024xf32, #tpu.memory_space<vmem>>, vector<1024x1024xf32>
    tpu.vector_store %arg6[%swap3A, %swap3A_34], %add3A_33 {strides = array<i32>} : memref<1024x1024xf32, #tpu.memory_space<vmem>>, vector<1024x1024xf32>,
    return
  }
  func.func @transform_0(%arg0: i32) -> (i32, i32) {
    %c0_i32 = arith.constant 0 : i32
    %c0_i32_0 = arith.constant 0 : i32
    return %arg0, %c0_i32 : i32, i32
  }
  func.func @transform_1(%arg0: i32) -> (i32, i32) {
    %c1_i32 = arith.constant 1 : i32
    %c0_i32 = arith.constant 0 : i32
    %c0_i32_0 = arith.constant 0 : i32
    return %c1_i32, %c0_i32 : i32, i32
  }
  func.func @transform_2(%arg0: i32) -> (i32, i32) {
    %c0_i32 = arith.constant 0 : i32
    %c0_i32_0 = arith.constant 0 : i32
    %c0_i32_1 = arith.constant 0 : i32
    return %c0_i32, %c0_i32_0 : i32, i32
  }
  func.func @transform_3(%arg0: i32) -> (i32, i32) {
    %c0_i32 = arith.constant 0 : i32
    %c0_i32_0 = arith.constant 0 : i32
    %c0_i32_1 = arith.constant 0 : i32
    return %c0_i32, %c0_i32_0 : i32, i32
  }
  func.func @transform_5(%arg0: i32) -> (i32, i32) {
    %mul3A = arith.constant 2 : i32
    %mul3A_0 = arith.muli %arg0, %mul3A : i32
    %add3A = arith.constant 1 : i32
    %add3A_1 = arith.addi %mul3A_0, %add3A : i32
    %c0_i32 = arith.constant 0 : i32
    %c0_i32_2 = arith.constant 0 : i32
    return %add3A_1, %c0_i32 : i32, i32
  }
}

module attributes {stable_mosaic.version = 14 : i64} {
  func.func @body(%arg0: i32, %arg1: memref<1024x1024xf32, #tpu.memory_space<vmem>>, %arg2: memref<1024x1024xf32, #tpu.memory_space<vmem>>, %arg3: memref<1x1024xf32, #tpu.memory_space<vmem>>, %arg4: memref<1x1024xf32, #tpu.memory_space<vmem>>, %arg5: memref<1024x1024xf32, #tpu.memory_space<vmem>>) attributes {dimension_semantics = [#tpu.dimension_semantics<arbitrary>], iteration_bounds = array<i64: 4>, scalar_prefetch = 0 : i64, scratch_operands = 0 : i64, tpu.core_type = #tpu.core_type<tc>, window_params = [{transform_indices = @transform_0, window_bounds = array<i64: 1024, 1024>}, {transform_indices = @transform_1, window_bounds = array<i64: 1024, 1024>}, {pipeline_mode = #tpu.pipeline_mode<synchronous>, transform_indices = @transform_2, window_bounds = array<i64: 1, 1024>}, {pipeline_mode = #tpu.pipeline_mode<synchronous>, transform_indices = @transform_3, window_bounds = array<i64: 1, 1024>}, {transform_indices = @transform_4, window_bounds = array<i64: 1024, 1024>}]} {
    %get3A = arith.constant 0 : index
    %get3A_0 = arith.constant 0 : index
    %get3A_1 = vector.load %arg1[%get3A, %get3A_0] : memref<1024x1024xf32, #tpu.memory_space<vmem>>, vector<1024x1024xf32>
    %mul3A = arith.constant 3.200000e+01 : f32
    %mul3A_2 = vector.broadcast %mul3A : f32 to vector<1024x1024xf32>
    %mul3A_3 = arith.mulf %get3A_1, %mul3A_2 : vector<1024x1024xf32>
    %get3A_4 = arith.constant 0 : index
    %get3A_5 = arith.constant 0 : index
    %get3A_6 = vector.load %arg2[%get3A_4, %get3A_5] : memref<1024x1024xf32, #tpu.memory_space<vmem>>, vector<1024x1024xf32>
    %add3A = arith.addf %mul3A_3, %get3A_6 : vector<1024x1024xf32>
    %reduce_sum3A = arith.constant dense<0.000000e+00> : vector<1024xf32>
    %reduce_sum3A_7 = vector.multi_reduction <add>, %add3A, %reduce_sum3A [1] : vector<1024x1024xf32> to vector<1024xf32>
    %broadcast_in_dim3A = vector.shape_cast %reduce_sum3A_7 : vector<1024xf32> to vector<1024x1xf32>
    %div3A = arith.constant 1.024000e+03 : f32
    %div3A_8 = vector.broadcast %div3A : f32 to vector<1024x1xf32>
    %div3A_9 = arith.divf %broadcast_in_dim3A, %div3A_8 : vector<1024x1xf32>
    %sub3A = vector.broadcast %div3A_9 : vector<1024x1xf32> to vector<1024x1024xf32>
    %sub3A_10 = arith.subf %add3A, %sub3A : vector<1024x1024xf32>
    %integer_pow3A = arith.mulf %sub3A_10, %sub3A_10 : vector<1024x1024xf32>
    %reduce_sum3A_11 = arith.constant dense<0.000000e+00> : vector<1024xf32>
    %reduce_sum3A_12 = vector.multi_reduction <add>, %integer_pow3A, %reduce_sum3A_11 [1] : vector<1024x1024xf32> to vector<1024xf32>
    %broadcast_in_dim3A_13 = vector.shape_cast %reduce_sum3A_12 : vector<1024xf32> to vector<1024x1xf32>
    %div3A_14 = arith.constant 1.024000e+03 : f32
    %div3A_15 = vector.broadcast %div3A_14 : f32 to vector<1024x1xf32>
    %div3A_16 = arith.divf %broadcast_in_dim3A_13, %div3A_15 : vector<1024x1xf32>
    %sub3A_17 = vector.broadcast %div3A_9 : vector<1024x1xf32> to vector<1024x1024xf32>
    %sub3A_18 = arith.subf %add3A, %sub3A_17 : vector<1024x1024xf32>
    %add3A_19 = arith.constant 9.99999996E-13 : f32
    %add3A_20 = vector.broadcast %add3A_19 : f32 to vector<1024x1xf32>
    %add3A_21 = arith.addf %div3A_16, %add3A_20 : vector<1024x1xf32>
    %sqrt3A = math.sqrt %add3A_21 : vector<1024x1xf32>
    %div3A_22 = vector.broadcast %sqrt3A : vector<1024x1xf32> to vector<1024x1024xf32>
    %div3A_23 = arith.divf %sub3A_18, %div3A_22 : vector<1024x1024xf32>
    %get3A_24 = arith.constant 0 : index
    %get3A_25 = arith.constant 0 : index
    %get3A_26 = vector.load %arg3[%get3A_24, %get3A_25] : memref<1x1024xf32, #tpu.memory_space<vmem>>, vector<1x1024xf32>
    %mul3A_27 = vector.broadcast %get3A_26 : vector<1x1024xf32> to vector<1024x1024xf32>
    %mul3A_28 = arith.mulf %div3A_23, %mul3A_27 : vector<1024x1024xf32>
    %get3A_29 = arith.constant 0 : index
    %get3A_30 = arith.constant 0 : index
    %get3A_31 = vector.load %arg4[%get3A_29, %get3A_30] : memref<1x1024xf32, #tpu.memory_space<vmem>>, vector<1x1024xf32>
    %add3A_32 = vector.broadcast %get3A_31 : vector<1x1024xf32> to vector<1024x1024xf32>
    %add3A_33 = arith.addf %mul3A_28, %add3A_32 : vector<1024x1024xf32>
    %swap3A = arith.constant 0 : index
    %swap3A_34 = arith.constant 0 : index
    %swap3A_35 = vector.load %arg5[%swap3A, %swap3A_34] : memref<1024x1024xf32, #tpu.memory_space<vmem>>, vector<1024x1024xf32>
    tpu.vector_store %arg5[%swap3A, %swap3A_34], %add3A_33 {strides = array<i32>} : memref<1024x1024xf32, #tpu.memory_space<vmem>>, vector<1024x1024xf32>,
    return
  }
  func.func @transform_0(%arg0: i32) -> (i32, i32) {
    %c0_i32 = arith.constant 0 : i32
    %c0_i32_0 = arith.constant 0 : i32
    return %arg0, %c0_i32 : i32, i32
  }
  func.func @transform_1(%arg0: i32) -> (i32, i32) {
    %c0_i32 = arith.constant 0 : i32
    %c0_i32_0 = arith.constant 0 : i32
    %c0_i32_1 = arith.constant 0 : i32
    return %c0_i32, %c0_i32_0 : i32, i32
  }
  func.func @transform_2(%arg0: i32) -> (i32, i32) {
    %c0_i32 = arith.constant 0 : i32
    %c0_i32_0 = arith.constant 0 : i32
    %c0_i32_1 = arith.constant 0 : i32
    return %c0_i32, %c0_i32_0 : i32, i32
  }
  func.func @transform_3(%arg0: i32) -> (i32, i32) {
    %c0_i32 = arith.constant 0 : i32
    %c0_i32_0 = arith.constant 0 : i32
    %c0_i32_1 = arith.constant 0 : i32
    return %c0_i32, %c0_i32_0 : i32, i32
  }
  func.func @transform_4(%arg0: i32) -> (i32, i32) {
    %mul3A = arith.constant 2 : i32
    %mul3A_0 = arith.muli %arg0, %mul3A : i32
    %add3A = arith.constant 0 : i32
    %add3A_1 = arith.addi %mul3A_0, %add3A : i32
    %c0_i32 = arith.constant 0 : i32
    %c0_i32_2 = arith.constant 0 : i32
    return %add3A_1, %c0_i32 : i32, i32
  }
}

</mosaic_0001>

<sc_bundles>
// kernel: kernel.6.cloned.1.call-start
scs
__scs_entry_jumppad:
0x0: {  	(pc) =	sbr.rel $0x88, $3  }
0x1: {  	(tag) =	ssettag $0x0;
	lr =	simm.s32 $0x1  }
0x2: {  	[smem:$0x3F9B] =	sst lr;
	_ =	strace $0xD0000000  }
0x3: {  	_ = 	snop  }
0x4: {  	_ = 	snop  }
0x5: {  	_ = 	snop  }
0x6: {  	_ = 	snop  }
0x7: {  	_ = 	snop  }
__scs_overlays_trampoline_lowered:
0x8: {  	[smem:$0x3FAA] =	sst s0  }
0x9: {  	[smem:$0x3FAB] =	sst s1  }
0xa: {  	[smem:$0x3FAC] =	sst s2  }
0xb: {  	[smem:$0x3FAD] =	sst s3  }
0xc: {  	[smem:$0x3FAE] =	sst s4  }
0xd: {  	[smem:$0x3FAF] =	sst s5  }
0xe: {  	[smem:$0x3FB0] =	sst s6  }
0xf: {  	[smem:$0x3FB1] =	sst s7  }
0x10: {  	[smem:$0x3FB2] =	sst s8  }
0x11: {  	[smem:$0x3FB3] =	sst s9;
	s0 =	simm.s32 @!p0 $0x0  }
0x12: {  	s1 =	sld [smem:$0x3F99];
	s0 =	simm.s32 @p0 $0x1  }
0x13: {  	[smem:$0x3FB4] =	sst s0;
	s0 =	simm.s32 @!p1 $0x0  }
0x14: {  	s2 =	sld [smem:$0x3F98];
	s0 =	simm.s32 @p1 $0x1  }
0x15: {  	[smem:$0x3FB5] =	sst s0;
	s0 =	simm.s32 @!p2 $0x0  }
0x16: {  	s3 =	sld [smem:$0x3FDB];
	s0 =	simm.s32 @p2 $0x1  }
0x17: {  	s4 =	simm.s32 $0x1BF5;
	[smem:$0x3FB7] =	sst s0  }
0x18: {  	s0 =	sld [smem:$0x3F9A];
	_ =	swait.ge [sflag:s4], $0x0  }
0x19: {  	s7 =	sld [smem:$0x3F9B]  }
0x1a: {  	s8 =	sadd.s32 $0xFFFFE003, lr  }
0x1b: {  	s9 =	sadd.s32 $0xFFFFFEF7, lr;
	s5 =	simm.s32 $0xFFFFFFFF;
	p2 =	slt.u32 s8, $0xFFFFF086  }
0x1c: {  	p1 =	slt.u32 s9, $0xF7A;
	s5 =	simm.s32 @!p2 $0x0  }
0x1d: {  	s5 =	simm.s32 @p1 $0x1;
	p0 =	seq.s32 s7, s2  }
0x1e: {  	s7 =	smul.u32 @!p0 $0xF7A, s2;
	p2 =	seq.s32 @!p0 s5, $0x0  }
0x1f: {  	s9 =	smul.u32 $0xF7A, s1;
	s8 =	simm.s32 @!p0 $0x1BF5;
	p2 =	por !p2, p0  }
0x20: {  	[sflag:s8] =	ssyncset.s32 @!p0 $0xFFFFF086;
	s6 =	sadd.s32 @!p0 s3, s7;
	s7 =	simm.s32 @!p0 $0x108  }
0x21: {  	s3 =	sadd.s32 s3, s9;
	s6 =	sadd.s32 @!p0 $0x88, s6;
	s7 =	simm.s32 @p2 $0x1082  }
0x22: {  	[simem:s7], [sflag:s8] =	dma.local @!p0 [hbm:s6], $0xF7A  }
0x23: {  	s9 =	sor.u32 $0xD0000000, s2;
	s6 =	simm.s32 $0x108;
	_ =	swait.ge @!p0 [sflag:s8], $0x0  }
0x24: {  	s3 =	sadd.s32 $0x88, s3;
	s6 =	simm.s32 @!p1 $0x1082;
	[sflag:s4] =	ssyncset.s32 $0xFFFFF086  }
0x25: {  	[simem:s6], [sflag:s4] =	dma.local [hbm:s3], $0xF7A  }
0x26: {  	[smem:$0x3F9B] =	sst s1;
	(tag) =	ssettag s2;
	_ =	strace s9  }
0x27: {  	s1 =	sld [smem:$0x3FAB]  }
0x28: {  	s2 =	sld [smem:$0x3FAC]  }
0x29: {  	s4 =	sld [smem:$0x3FAE]  }
0x2a: {  	p0 =	seq.s32 s5, $0x0;
	s5 =	sld [smem:$0x3FAF]  }
0x2b: {  	s6 =	sld [smem:$0x3FB0]  }
0x2c: {  	s7 =	sld [smem:$0x3FB1]  }
0x2d: {  	s3 =	simm.s32 $0x108;
	s8 =	sld [smem:$0x3FB2]  }
0x2e: {  	s3 =	simm.s32 @!p0 $0x1082;
	s9 =	sld [smem:$0x3FB3]  }
0x2f: {  	lr =	sadd.s32 s0, s3;
	s0 =	sld [smem:$0x3FAA]  }
0x30: {  	s3 =	sld [smem:$0x3FAD]  }
0x31: {  	[smem:$0x3FB6] =	sst s10  }
0x32: {  	s10 =	sld [smem:$0x3FB4];
	_ =	sdelay $0x3  }
0x33: {  	p0 =	seq.s32 s10, $0x1;
	s10 =	sld [smem:$0x3FB6];
	_ =	sdelay $0x3  }
0x34: {  	[smem:$0x3FB6] =	sst s10  }
0x35: {  	s10 =	sld [smem:$0x3FB5];
	_ =	sdelay $0x3  }
0x36: {  	p1 =	seq.s32 s10, $0x1;
	s10 =	sld [smem:$0x3FB6];
	_ =	sdelay $0x3  }
0x37: {  	[smem:$0x3FB6] =	sst s10  }
0x38: {  	s10 =	sld [smem:$0x3FB7]  }
0x39: {  	_ = 	snop;
	(pc) =	sbr.ind lr, $3  }
0x3a: {  	_ = 	snop  }
0x3b: {  	_ = 	snop  }
0x3c: {  	p2 =	seq.s32 s10, $0x1;
	s10 =	sld [smem:$0x3FB6]  }
0x3d: {  	_ =	shalt  }
0x3e: {  	_ =	shalt  }
0x3f: {  	_ =	shalt  }
0x40: {  	_ =	shalt  }
0x41: {  	_ =	shalt  }
0x42: {  	_ =	shalt  }
0x43: {  	_ =	shalt  }
0x44: {  	_ =	shalt  }
0x45: {  	_ =	shalt  }
0x46: {  	_ =	shalt  }
0x47: {  	_ =	shalt  }
0x48: {  	_ =	shalt  }
0x49: {  	_ =	shalt  }
0x4a: {  	_ =	shalt  }
0x4b: {  	_ =	shalt  }
0x4c: {  	_ =	shalt  }
0x4d: {  	_ =	shalt  }
0x4e: {  	_ =	shalt  }
0x4f: {  	_ =	shalt  }
0x50: {  	_ =	shalt  }
0x51: {  	_ =	shalt  }
0x52: {  	_ =	shalt  }
0x53: {  	_ =	shalt  }
0x54: {  	_ =	shalt  }
0x55: {  	_ =	shalt  }
0x56: {  	_ =	shalt  }
0x57: {  	_ =	shalt  }
0x58: {  	_ =	shalt  }
0x59: {  	_ =	shalt  }
0x5a: {  	_ =	shalt  }
0x5b: {  	_ =	shalt  }
0x5c: {  	_ =	shalt  }
0x5d: {  	_ =	shalt  }
0x5e: {  	_ =	shalt  }
0x5f: {  	_ =	shalt  }
0x60: {  	_ =	shalt  }
0x61: {  	_ =	shalt  }
0x62: {  	_ =	shalt  }
0x63: {  	_ =	shalt  }
0x64: {  	_ =	shalt  }
0x65: {  	_ =	shalt  }
0x66: {  	_ =	shalt  }
0x67: {  	_ =	shalt  }
0x68: {  	_ =	shalt  }
0x69: {  	_ =	shalt  }
0x6a: {  	_ =	shalt  }
0x6b: {  	_ =	shalt  }
0x6c: {  	_ =	shalt  }
0x6d: {  	_ =	shalt  }
0x6e: {  	_ =	shalt  }
0x6f: {  	_ =	shalt  }
0x70: {  	_ =	shalt  }
0x71: {  	_ =	shalt  }
0x72: {  	_ =	shalt  }
0x73: {  	_ =	shalt  }
0x74: {  	_ =	shalt  }
0x75: {  	_ =	shalt  }
0x76: {  	_ =	shalt  }
0x77: {  	_ =	shalt  }
0x78: {  	_ =	shalt  }
0x79: {  	_ =	shalt  }
0x7a: {  	_ =	shalt  }
0x7b: {  	_ =	shalt  }
0x7c: {  	_ =	shalt  }
0x7d: {  	_ =	shalt  }
0x7e: {  	_ =	shalt  }
0x7f: {  	_ =	shalt  }
0x80: {  	_ =	shalt  }
0x81: {  	_ =	shalt  }
0x82: {  	_ =	shalt  }
0x83: {  	_ =	shalt  }
0x84: {  	_ =	shalt  }
0x85: {  	_ =	shalt  }
0x86: {  	_ =	shalt  }
0x87: {  	_ =	shalt  }
.Lfunc_end0:
.L_simem_size_0:
called_computation_lowered:
.L_overlay_start_0:
0x88: {  	s2 =	sld [smem:$0x3FD9]  }
0x89: {  	s3 =	sld [smem:$0x3FFE];
	_ =	sdelay $0x1  }
0x8a: {  	s1 =	srdreg.scid  }
0x8b: {  	s0 =	sand.u32 $0x1, s1  }
0x8c: {  	s17 =	sshll.u32 s0, $0xA;
	s2 =	sadd.s32 s3, s2  }
0x8d: {  	s2 =	sadd.s32 s2, s17  }
0x8e: {  	[smem:$0x3FC2] =	sst s2  }
0x8f: {  	_ = 	snop  }
0x90: {  	s2 =	sld [smem:$0x3FC9]  }
0x91: {  	s18 =	sld [smem:$0x3FC7];
	(tm) =	ssettm $0x1  }
0x92: {  	s4 =	sld [smem:$0x3FFB];
	_ =	sdelay $0x3  }
0x93: {  	_ =	strace s4  }
0x94: {  	s4 =	sld [smem:$0x3FFC];
	_ =	sdelay $0x3  }
0x95: {  	_ =	strace s4  }
0x96: {  	s4 =	sld [smem:$0x3FFD];
	_ =	sdelay $0x3  }
0x97: {  	_ =	strace s4  }
0x98: {  	_ =	strace $0x8FFFFFFF  }
0x99: {  	s19 =	sld [smem:$0x3FDB];
	_ =	sdelay $0x1  }
0x9a: {  	s5 =	simm.s32 $_scs_section_size  }
0x9b: {  	s6 =	simm.s32 $_size__tile_overlayer_lowered;
	s7 =	simm.s32 $_tile_overlayer_lowered  }
0x9c: {  	s22 =	simm.s32 $0x1BFF;
	s21 =	sshll.u32 s7, $0x1;
	s4 =	sadd.s32 s5, s19  }
0x9d: {  	s8 =	simm.s32 $0x0;
	s20 =	sshll.u32 s6, $0x1;
	s6 =	sadd.s32 s21, s4  }
0x9e: {  	[timem:s8], [sflag:s22] =	dma.local [hbm:s6], s20  }
0x9f: {  	_ =	swait.ge [sflag:s22], s20  }
0xa0: {  	s5 =	ssub.s32 $0x0, s20;
	[sflag:s22] =	ssyncset.done $0x0  }
0xa1: {  	[sflag:s22] =	ssyncadd.s32 s5;
	_ =	sdelay $0x1  }
0xa2: {  	s23 =	simm.s32 $0x1B8B  }
0xa3: {  	_ =	swait.ge [sflag:s23], $0x1  }
0xa4: {  	[sflag:s23] =	ssyncset.done $0x0  }
0xa5: {  	s25 =	simm.s32 $0x1B8E;
	s24 =	sld [smem:$0x3FFE];
	[sflag:s23] =	ssyncadd.s32 $0xFFFFFFFF  }
0xa6: {  	s26 =	simm.s32 $execute0_lowered;
	[smem:$0x3FD2] =	sst s25  }
0xa7: {  	s6 =	sshll.u32 s26, $0x1;
	_ =	strace $0x80000046;
	[dreg:$0x1] =	wrdreg $0xFFFFFFFF  }
0xa8: {  	s28 =	simm.s32 $_size_execute0_lowered;
	s4 =	sadd.s32 s4, s6;
	[dreg:$0x0] =	wrdreg $0x0  }
0xa9: {  	s6 =	sshll.u32 s28, $0x1;
	[dreg:$0x2] =	wrdreg s4  }
0xaa: {  	[dreg:$0x3] =	wrdreg s6  }
0xab: {  	[dreg:$0x4] =	wrdreg $0xC0  }
0xac: {  	_ =	task [dreg:s8], $0x5FFFF  }
0xad: {  	[dreg:$0x1] =	wrdreg $0xFFFFFFFF  }
0xae: {  	[dreg:$0x0] =	wrdreg $0x60  }
0xaf: {  	[dreg:$0x2] =	wrdreg s2  }
0xb0: {  	[dreg:$0x3] =	wrdreg s18  }
0xb1: {  	[dreg:$0x4] =	wrdreg s24  }
0xb2: {  	[dreg:$0x5] =	wrdreg $0x9  }
0xb3: {  	_ =	task.clear_ibuf [dreg:s8], $0x6FFFF;
	_ =	strace $0x90000046  }
0xb4: {  	s29 =	simm.s32 $0x9;
	_ =	strace $0x80000048  }
0xb5: {  	_ =	swait.ge [sflag:s29], $0x1  }
0xb6: {  	[sflag:s29] =	ssyncadd.s32 $0xFFFFFFFF  }
0xb7: {  	_ =	strace $0x90000048  }
0xb8: {  	_ =	sfence  }
0xb9: {  	s30 =	sld [smem:$0x0];
	_ =	sdelay $0x2  }
0xba: {  	s31 =	sshll.u32 s1, $0xD;
	s1 =	sshrl.u32 s1, $0x2  }
0xbb: {  	s3 =	sand.u32 $0x4000, s31;
	s1 =	sadd.s32 s1, s30  }
0xbc: {  	s0 =	sor.u32 s3, s0;
	s1 =	sshll.u32 s1, $0x11  }
0xbd: {  	s0 =	sor.u32 s1, s0  }
0xbe: {  	s0 =	sadd.s32 $0x8F2B, s0  }
0xbf: {  	[sflag:s0] =	ssyncadd.remote.s32 $0x1  }
0xc0: {  	_ =	sfence.sel $0xFFFF  }
0xc1: {  	[dreg:$0x0] =	wrdreg $0xFFFFFFFF;
	(pc) =	sbr.abs _section_cstart, $3  }
0xc2: {  	[dreg:$0x1] =	wrdreg $0xFFFFFFFF  }
0xc3: {  	_ =	task.clear_ibuf [dreg:s8], $0x2FFFF;
	_ =	strace $0x9FFFFFFF  }
0xc4: {  	(tm) =	ssettm $0x7FFFFFFF  }
0xc5: {  	_ =	shalt  }
tec
execute0_lowered:
.L_overlay_start_1:
0x0: {  	(tag) =	ssettag $0x1  }
0x1: {  	s0 =	rddreg [dreg:$0x0]  }
0x2: {  	s2 =	rddreg [dreg:$0x1]  }
0x3: {  	s1 =	rddreg [dreg:$0x2]  }
0x4: {  	s3 =	srdreg.scid;
	s6 =	stileid.u32  }
0x5: {  	s28 =	simm.s32 $0x8;
	s17 =	simm.s32 $0x80;
	s30 =	simm.s32 $0x880  }
0x6: {  	s31 =	simm.s32 $0x1080;
	s12 =	simm.s32 $0x2880;
	s13 =	simm.s32 $0x3080  }
0x7: {  	s14 =	simm.s32 $0x3880;
	s15 =	simm.s32 $0x4880;
	s16 =	simm.s32 $0x5080  }
0x8: {  	s9 =	simm.s32 $0x7080;
	s11 =	simm.s32 $0x7880;
	s10 =	simm.s32 $0x8080  }
0x9: {  	s4 =	sand.u32 $0x1, s3;
	s5 =	sshll.u32 s6, $0x1;
	s3 =	simm.s32 $0x0  }
0xa: {  	s6 =	sshll.u32 s6, $0x2;
	s5 =	sor.u32 s4, s5;
	[smem:$0x7FF] =	sst s3  }
0xb: {  	s6 =	sand.u32 $0x30, s6;
	s4 =	ssub.s32 $0x2, s4;
	s7 =	sshll.u32 s5, $0x6  }
0xc: {  	s5 =	sshll.u32 s5, $0xE;
	s0 =	sadd.s32 s0, s6;
	s7 =	sand.u32 $0x1C0, s7  }
0xd: {  	_ =	strace $0x80000047;
	s1 =	sadd.s32 s5, s1;
	s0 =	sadd.s32 s7, s0  }
0xe: {  	s23 =	sshrl.u32 s4, $0x1;
	s18 =	sadd.s32 $0x1000, s1;
	[dreg:$0x4] =	wrdreg s0  }
0xf: {  	s6 =	sadd.s32 $0x300, s2;
	s19 =	sadd.s32 $0x1800, s1;
	[dreg:$0x5] =	wrdreg s18  }
0x10: {  	s25 =	ssub.s32 s4, s23;
	s20 =	sadd.s32 $0x2000, s1;
	[dreg:$0x6] =	wrdreg s19  }
0x11: {  	s4 =	sadd.s32 $0x100, s2;
	s21 =	sadd.s32 $0x2800, s1;
	[dreg:$0x7] =	wrdreg s20  }
0x12: {  	s5 =	sadd.s32 $0x200, s2;
	s22 =	sadd.s32 $0x3000, s1;
	[dreg:$0x8] =	wrdreg s21  }
0x13: {  	s23 =	simm.s32 $0x1;
	s24 =	sadd.s32 $0x3800, s1;
	[dreg:$0x9] =	wrdreg s22  }
0x14: {  	s26 =	sadd.s32 $0x4000, s1;
	s29 =	sadd.s32 $0x4800, s1;
	[dreg:$0xa] =	wrdreg s24  }
0x15: {  	v2 =	vlaneseq.u32;
	s7 =	smax.u32 s25, $0x1;
	s25 =	simm.s32 $0x4080;
	[dreg:$0xb] =	wrdreg s26  }
0x16: {  	vm0 =	vmmov $0xffff;
	v1 =	vshrl.u32 v2, $0x3;
	[dreg:$0xc] =	wrdreg s29;
	s24 =	simm.s32 $0x4;
	s26 =	simm.s32 $0x7  }
0x17: {  	v0 =	vand.u32 $0x7, v2;
	v2 =	vor.u32 $0x8, v2;
	v1 =	vmul.u32 $0x8, v1;
	s18 =	simm.s32 $0x5880;
	s19 =	simm.s32 $0x6080;
	s22 =	simm.s32 $0x5  }
.LBB2_1:
0x18: {  	s29 =	rddreg [dreg:$0x4];
	s0 =	simm.s32 $0x9  }
0x19: {  	[tilespmem:s3], [sflag:$0x9] =	stream.linear.gather [hbm4b:s29+s3], $0x80, $0x38;
	[tilespmem:$0x10080] =	vst v63  }
0x1a: {  	_ =	swait.ge [sflag:s0], $0x80  }
0x1b: {  	[sflag:s0] =	ssyncset.done $0x0  }
0x1c: {  	[sflag:s0] =	ssyncadd.s32 $0xFFFFFF80  }
0x1d: {  	v3 =	vld [tilespmem:$0x0];
	_ =	sdelay $0x4  }
0x1e: {  	v4 =	vshll.u32 v3, $0x3  }
0x1f: {  	v3 =	vand.u32 $0x7, v3;
	v4 =	vand.u32 $0xFFFFFFC0, v4  }
0x20: {  	v3 =	vor.u32 v3, v4  }
0x21: {  	v4 =	vperm.xlane v3, v0;
	_ =	sdelay $0x1  }
0x22: {  	v4 =	vadd.s32 v1, v4;
	_ =	sdelay $0x4  }
0x23: {  	[tilespmem:s17], [sflag:$0x1] =	stream.indirect_vreg.gather [hbm4b:s2+s3], $0x80, v4, vm0, $0xb8;
	[tilespmem:$0x10080] =	vst v63  }
0x24: {  	v3 =	vperm.xlane v3, v2  }
0x25: {  	[tilespmem:s30], [sflag:$0x1] =	stream.indirect_vreg.gather [hbm4b:s4+s3], $0x80, v4, vm0, $0xb8;
	[tilespmem:$0x10080] =	vst v63  }
0x26: {  	v3 =	vadd.s32 v1, v3  }
0x27: {  	[tilespmem:s31], [sflag:$0x1] =	stream.indirect_vreg.gather [hbm4b:s5+s3], $0x80, v4, vm0, $0xb8;
	[tilespmem:$0x10080] =	vst v63  }
0x28: {  	s0 =	simm.s32 $0x1880  }
0x29: {  	[tilespmem:s0], [sflag:$0x1] =	stream.indirect_vreg.gather [hbm4b:s6+s3], $0x80, v4, vm0, $0xb8;
	[tilespmem:$0x10080] =	vst v63  }
0x2a: {  	s1 =	simm.s32 $0x2080  }
0x2b: {  	[tilespmem:s1], [sflag:$0x1] =	stream.indirect_vreg.gather [hbm4b:s2+s3], $0x80, v3, vm0, $0xb8;
	[tilespmem:$0x10080] =	vst v63  }
0x2c: {  	_ = 	snop  }
0x2d: {  	[tilespmem:s12], [sflag:$0x1] =	stream.indirect_vreg.gather [hbm4b:s4+s3], $0x80, v3, vm0, $0xb8;
	[tilespmem:$0x10080] =	vst v63  }
0x2e: {  	_ = 	snop  }
0x2f: {  	[tilespmem:s13], [sflag:$0x1] =	stream.indirect_vreg.gather [hbm4b:s5+s3], $0x80, v3, vm0, $0xb8;
	[tilespmem:$0x10080] =	vst v63  }
0x30: {  	_ = 	snop  }
0x31: {  	[tilespmem:s14], [sflag:$0x1] =	stream.indirect_vreg.gather [hbm4b:s6+s3], $0x80, v3, vm0, $0xb8;
	[tilespmem:$0x10080] =	vst v63  }
0x32: {  	v3 =	vld [tilespmem:$0x10];
	_ =	sdelay $0x4  }
0x33: {  	v57 =	vshll.u32 v3, $0x3  }
0x34: {  	v3 =	vand.u32 $0x7, v3;
	v4 =	vand.u32 $0xFFFFFFC0, v57  }
0x35: {  	v3 =	vor.u32 v3, v4  }
0x36: {  	v4 =	vperm.xlane v3, v0;
	_ =	sdelay $0x1  }
0x37: {  	v4 =	vadd.s32 v1, v4;
	_ =	sdelay $0x4  }
0x38: {  	[tilespmem:s25], [sflag:$0x2] =	stream.indirect_vreg.gather [hbm4b:s2+s3], $0x80, v4, vm0, $0xb8;
	[tilespmem:$0x10080] =	vst v63  }
0x39: {  	v3 =	vperm.xlane v3, v2  }
0x3a: {  	[tilespmem:s15], [sflag:$0x2] =	stream.indirect_vreg.gather [hbm4b:s4+s3], $0x80, v4, vm0, $0xb8;
	[tilespmem:$0x10080] =	vst v63  }
0x3b: {  	v3 =	vadd.s32 v1, v3  }
0x3c: {  	[tilespmem:s16], [sflag:$0x2] =	stream.indirect_vreg.gather [hbm4b:s5+s3], $0x80, v4, vm0, $0xb8;
	[tilespmem:$0x10080] =	vst v63  }
0x3d: {  	_ = 	snop  }
0x3e: {  	[tilespmem:s18], [sflag:$0x2] =	stream.indirect_vreg.gather [hbm4b:s6+s3], $0x80, v4, vm0, $0xb8;
	[tilespmem:$0x10080] =	vst v63  }
0x3f: {  	_ = 	snop  }
0x40: {  	[tilespmem:s19], [sflag:$0x2] =	stream.indirect_vreg.gather [hbm4b:s2+s3], $0x80, v3, vm0, $0xb8;
	[tilespmem:$0x10080] =	vst v63  }
0x41: {  	s8 =	simm.s32 $0x6880  }
0x42: {  	[tilespmem:s8], [sflag:$0x2] =	stream.indirect_vreg.gather [hbm4b:s4+s3], $0x80, v3, vm0, $0xb8;
	[tilespmem:$0x10080] =	vst v63  }
0x43: {  	_ = 	snop  }
0x44: {  	[tilespmem:s9], [sflag:$0x2] =	stream.indirect_vreg.gather [hbm4b:s5+s3], $0x80, v3, vm0, $0xb8;
	[tilespmem:$0x10080] =	vst v63  }
0x45: {  	_ = 	snop  }
0x46: {  	[tilespmem:s11], [sflag:$0x2] =	stream.indirect_vreg.gather [hbm4b:s6+s3], $0x80, v3, vm0, $0xb8;
	[tilespmem:$0x10080] =	vst v63  }
0x47: {  	v3 =	vld [tilespmem:$0x20];
	_ =	sdelay $0x4  }
0x48: {  	v58 =	vshll.u32 v3, $0x3  }
0x49: {  	v3 =	vand.u32 $0x7, v3;
	v4 =	vand.u32 $0xFFFFFFC0, v58  }
0x4a: {  	v3 =	vor.u32 v3, v4  }
0x4b: {  	v4 =	vperm.xlane v3, v0;
	_ =	sdelay $0x1  }
0x4c: {  	v4 =	vadd.s32 v1, v4;
	_ =	sdelay $0x4  }
0x4d: {  	[tilespmem:s10], [sflag:$0x3] =	stream.indirect_vreg.gather [hbm4b:s2+s3], $0x80, v4, vm0, $0xb8;
	[tilespmem:$0x10080] =	vst v63  }
0x4e: {  	s20 =	simm.s32 $0x8880;
	v3 =	vperm.xlane v3, v2  }
0x4f: {  	[tilespmem:s20], [sflag:$0x3] =	stream.indirect_vreg.gather [hbm4b:s4+s3], $0x80, v4, vm0, $0xb8;
	[tilespmem:$0x10080] =	vst v63  }
0x50: {  	s29 =	simm.s32 $0x9080;
	v3 =	vadd.s32 v1, v3  }
0x51: {  	[tilespmem:s29], [sflag:$0x3] =	stream.indirect_vreg.gather [hbm4b:s5+s3], $0x80, v4, vm0, $0xb8;
	[tilespmem:$0x10080] =	vst v63  }
0x52: {  	s21 =	simm.s32 $0x9880  }
0x53: {  	[tilespmem:s21], [sflag:$0x3] =	stream.indirect_vreg.gather [hbm4b:s6+s3], $0x80, v4, vm0, $0xb8;
	[tilespmem:$0x10080] =	vst v63  }
0x54: {  	s29 =	simm.s32 $0xA080  }
0x55: {  	[tilespmem:s29], [sflag:$0x3] =	stream.indirect_vreg.gather [hbm4b:s2+s3], $0x80, v3, vm0, $0xb8;
	[tilespmem:$0x10080] =	vst v63  }
0x56: {  	s21 =	simm.s32 $0xA880  }
0x57: {  	[tilespmem:s21], [sflag:$0x3] =	stream.indirect_vreg.gather [hbm4b:s4+s3], $0x80, v3, vm0, $0xb8;
	[tilespmem:$0x10080] =	vst v63  }
0x58: {  	s29 =	simm.s32 $0xB080  }
0x59: {  	[tilespmem:s29], [sflag:$0x3] =	stream.indirect_vreg.gather [hbm4b:s5+s3], $0x80, v3, vm0, $0xb8;
	[tilespmem:$0x10080] =	vst v63  }
0x5a: {  	s21 =	simm.s32 $0xB880  }
0x5b: {  	[tilespmem:s21], [sflag:$0x3] =	stream.indirect_vreg.gather [hbm4b:s6+s3], $0x80, v3, vm0, $0xb8;
	[tilespmem:$0x10080] =	vst v63  }
0x5c: {  	_ =	swait.ge [sflag:s23], $0x4000  }
0x5d: {  	[sflag:s23] =	ssyncset.done $0x0  }
0x5e: {  	[sflag:s23] =	ssyncadd.s32 $0xFFFFC000  }
0x5f: {  	v3 =	vld [tilespmem:$0x30];
	_ =	sdelay $0x4  }
0x60: {  	v59 =	vshll.u32 v3, $0x3  }
0x61: {  	v3 =	vand.u32 $0x7, v3;
	v4 =	vand.u32 $0xFFFFFFC0, v59  }
0x62: {  	v3 =	vor.u32 v3, v4  }
0x63: {  	v4 =	vperm.xlane v3, v0;
	_ =	sdelay $0x1  }
0x64: {  	v4 =	vadd.s32 v1, v4;
	_ =	sdelay $0x3  }
0x65: {  	s20 =	simm.s32 $0xC080  }
0x66: {  	[tilespmem:s20], [sflag:$0x4] =	stream.indirect_vreg.gather [hbm4b:s2+s3], $0x80, v4, vm0, $0xb8;
	[tilespmem:$0x10080] =	vst v63  }
0x67: {  	s21 =	simm.s32 $0xC880;
	v3 =	vperm.xlane v3, v2  }
0x68: {  	[tilespmem:s21], [sflag:$0x4] =	stream.indirect_vreg.gather [hbm4b:s4+s3], $0x80, v4, vm0, $0xb8;
	[tilespmem:$0x10080] =	vst v63  }
0x69: {  	s29 =	simm.s32 $0xD080;
	v3 =	vadd.s32 v1, v3  }
0x6a: {  	[tilespmem:s29], [sflag:$0x4] =	stream.indirect_vreg.gather [hbm4b:s5+s3], $0x80, v4, vm0, $0xb8;
	[tilespmem:$0x10080] =	vst v63  }
0x6b: {  	s29 =	simm.s32 $0xD880  }
0x6c: {  	[tilespmem:s29], [sflag:$0x4] =	stream.indirect_vreg.gather [hbm4b:s6+s3], $0x80, v4, vm0, $0xb8;
	[tilespmem:$0x10080] =	vst v63  }
0x6d: {  	s29 =	simm.s32 $0xE080  }
0x6e: {  	[tilespmem:s29], [sflag:$0x4] =	stream.indirect_vreg.gather [hbm4b:s2+s3], $0x80, v3, vm0, $0xb8;
	[tilespmem:$0x10080] =	vst v63  }
0x6f: {  	s29 =	simm.s32 $0xE880  }
0x70: {  	[tilespmem:s29], [sflag:$0x4] =	stream.indirect_vreg.gather [hbm4b:s4+s3], $0x80, v3, vm0, $0xb8;
	[tilespmem:$0x10080] =	vst v63  }
0x71: {  	s29 =	simm.s32 $0xF080  }
0x72: {  	[tilespmem:s29], [sflag:$0x4] =	stream.indirect_vreg.gather [hbm4b:s5+s3], $0x80, v3, vm0, $0xb8;
	[tilespmem:$0x10080] =	vst v63  }
0x73: {  	s21 =	simm.s32 $0xF880  }
0x74: {  	[tilespmem:s21], [sflag:$0x4] =	stream.indirect_vreg.gather [hbm4b:s6+s3], $0x80, v3, vm0, $0xb8;
	[tilespmem:$0x10080] =	vst v63  }
0x75: {  	s29 =	rddreg [dreg:$0x5];
	s21 =	simm.s32 $0x2  }
0x76: {  	[hbm4b:s29+s3] =	stream.linear.scatter [tilespmem:s17], [sflag:$0x5], $0x4000, $0x38;
	[tilespmem:$0x10080] =	vst v63  }
0x77: {  	_ =	swait.ge [sflag:s21], $0x4000  }
0x78: {  	[sflag:s21] =	ssyncset.done $0x0  }
0x79: {  	[sflag:s21] =	ssyncadd.s32 $0xFFFFC000  }
0x7a: {  	_ =	swait.ge [sflag:s22], $0x4000  }
0x7b: {  	[sflag:s22] =	ssyncset.done $0x0  }
0x7c: {  	[sflag:s22] =	ssyncadd.s32 $0xFFFFC000  }
0x7d: {  	v3 =	vld [tilespmem:$0x40];
	_ =	sdelay $0x4  }
0x7e: {  	v60 =	vshll.u32 v3, $0x3  }
0x7f: {  	v3 =	vand.u32 $0x7, v3;
	v4 =	vand.u32 $0xFFFFFFC0, v60  }
0x80: {  	v3 =	vor.u32 v3, v4  }
0x81: {  	v4 =	vperm.xlane v3, v0;
	_ =	sdelay $0x1  }
0x82: {  	v4 =	vadd.s32 v1, v4;
	_ =	sdelay $0x4  }
0x83: {  	[tilespmem:s17], [sflag:$0x1] =	stream.indirect_vreg.gather [hbm4b:s2+s3], $0x80, v4, vm0, $0xb8;
	[tilespmem:$0x10080] =	vst v63  }
0x84: {  	v3 =	vperm.xlane v3, v2  }
0x85: {  	[tilespmem:s30], [sflag:$0x1] =	stream.indirect_vreg.gather [hbm4b:s4+s3], $0x80, v4, vm0, $0xb8;
	[tilespmem:$0x10080] =	vst v63  }
0x86: {  	v3 =	vadd.s32 v1, v3  }
0x87: {  	[tilespmem:s31], [sflag:$0x1] =	stream.indirect_vreg.gather [hbm4b:s5+s3], $0x80, v4, vm0, $0xb8;
	[tilespmem:$0x10080] =	vst v63  }
0x88: {  	_ = 	snop  }
0x89: {  	[tilespmem:s0], [sflag:$0x1] =	stream.indirect_vreg.gather [hbm4b:s6+s3], $0x80, v4, vm0, $0xb8;
	[tilespmem:$0x10080] =	vst v63  }
0x8a: {  	_ = 	snop  }
0x8b: {  	[tilespmem:s1], [sflag:$0x1] =	stream.indirect_vreg.gather [hbm4b:s2+s3], $0x80, v3, vm0, $0xb8;
	[tilespmem:$0x10080] =	vst v63  }
0x8c: {  	_ = 	snop  }
0x8d: {  	[tilespmem:s12], [sflag:$0x1] =	stream.indirect_vreg.gather [hbm4b:s4+s3], $0x80, v3, vm0, $0xb8;
	[tilespmem:$0x10080] =	vst v63  }
0x8e: {  	_ = 	snop  }
0x8f: {  	[tilespmem:s13], [sflag:$0x1] =	stream.indirect_vreg.gather [hbm4b:s5+s3], $0x80, v3, vm0, $0xb8;
	[tilespmem:$0x10080] =	vst v63  }
0x90: {  	_ = 	snop  }
0x91: {  	[tilespmem:s14], [sflag:$0x1] =	stream.indirect_vreg.gather [hbm4b:s6+s3], $0x80, v3, vm0, $0xb8;
	[tilespmem:$0x10080] =	vst v63  }
0x92: {  	s0 =	simm.s32 $0x3;
	s1 =	rddreg [dreg:$0x6]  }
0x93: {  	[hbm4b:s1+s3] =	stream.linear.scatter [tilespmem:s25], [sflag:$0x6], $0x4000, $0x38;
	[tilespmem:$0x10080] =	vst v63  }
0x94: {  	_ =	swait.ge [sflag:s0], $0x4000  }
0x95: {  	[sflag:s0] =	ssyncset.done $0x0  }
0x96: {  	s1 =	simm.s32 $0x6;
	[sflag:s0] =	ssyncadd.s32 $0xFFFFC000  }
0x97: {  	_ =	swait.ge [sflag:s1], $0x4000  }
0x98: {  	[sflag:s1] =	ssyncset.done $0x0  }
0x99: {  	[sflag:s1] =	ssyncadd.s32 $0xFFFFC000  }
0x9a: {  	v3 =	vld [tilespmem:$0x50];
	_ =	sdelay $0x4  }
0x9b: {  	v61 =	vshll.u32 v3, $0x3  }
0x9c: {  	v3 =	vand.u32 $0x7, v3;
	v4 =	vand.u32 $0xFFFFFFC0, v61  }
0x9d: {  	v3 =	vor.u32 v3, v4  }
0x9e: {  	v4 =	vperm.xlane v3, v0;
	_ =	sdelay $0x1  }
0x9f: {  	v4 =	vadd.s32 v1, v4;
	_ =	sdelay $0x4  }
0xa0: {  	[tilespmem:s25], [sflag:$0x2] =	stream.indirect_vreg.gather [hbm4b:s2+s3], $0x80, v4, vm0, $0xb8;
	[tilespmem:$0x10080] =	vst v63  }
0xa1: {  	v3 =	vperm.xlane v3, v2  }
0xa2: {  	[tilespmem:s15], [sflag:$0x2] =	stream.indirect_vreg.gather [hbm4b:s4+s3], $0x80, v4, vm0, $0xb8;
	[tilespmem:$0x10080] =	vst v63  }
0xa3: {  	v3 =	vadd.s32 v1, v3  }
0xa4: {  	[tilespmem:s16], [sflag:$0x2] =	stream.indirect_vreg.gather [hbm4b:s5+s3], $0x80, v4, vm0, $0xb8;
	[tilespmem:$0x10080] =	vst v63  }
0xa5: {  	_ = 	snop  }
0xa6: {  	[tilespmem:s18], [sflag:$0x2] =	stream.indirect_vreg.gather [hbm4b:s6+s3], $0x80, v4, vm0, $0xb8;
	[tilespmem:$0x10080] =	vst v63  }
0xa7: {  	_ = 	snop  }
0xa8: {  	[tilespmem:s19], [sflag:$0x2] =	stream.indirect_vreg.gather [hbm4b:s2+s3], $0x80, v3, vm0, $0xb8;
	[tilespmem:$0x10080] =	vst v63  }
0xa9: {  	_ = 	snop  }
0xaa: {  	[tilespmem:s8], [sflag:$0x2] =	stream.indirect_vreg.gather [hbm4b:s4+s3], $0x80, v3, vm0, $0xb8;
	[tilespmem:$0x10080] =	vst v63  }
0xab: {  	_ = 	snop  }
0xac: {  	[tilespmem:s9], [sflag:$0x2] =	stream.indirect_vreg.gather [hbm4b:s5+s3], $0x80, v3, vm0, $0xb8;
	[tilespmem:$0x10080] =	vst v63  }
0xad: {  	_ = 	snop  }
0xae: {  	[tilespmem:s11], [sflag:$0x2] =	stream.indirect_vreg.gather [hbm4b:s6+s3], $0x80, v3, vm0, $0xb8;
	[tilespmem:$0x10080] =	vst v63  }
0xaf: {  	s8 =	rddreg [dreg:$0x7]  }
0xb0: {  	[hbm4b:s8+s3] =	stream.linear.scatter [tilespmem:s10], [sflag:$0x7], $0x4000, $0x38;
	[tilespmem:$0x10080] =	vst v63  }
0xb1: {  	_ =	swait.ge [sflag:s24], $0x4000  }
0xb2: {  	[sflag:s24] =	ssyncset.done $0x0  }
0xb3: {  	[sflag:s24] =	ssyncadd.s32 $0xFFFFC000  }
0xb4: {  	_ =	swait.ge [sflag:s26], $0x4000  }
0xb5: {  	[sflag:s26] =	ssyncset.done $0x0  }
0xb6: {  	[sflag:s26] =	ssyncadd.s32 $0xFFFFC000  }
0xb7: {  	v3 =	vld [tilespmem:$0x60];
	_ =	sdelay $0x4  }
0xb8: {  	v62 =	vshll.u32 v3, $0x3  }
0xb9: {  	v3 =	vand.u32 $0x7, v3;
	v4 =	vand.u32 $0xFFFFFFC0, v62  }
0xba: {  	v3 =	vor.u32 v3, v4  }
0xbb: {  	v4 =	vperm.xlane v3, v0;
	_ =	sdelay $0x1  }
0xbc: {  	v4 =	vadd.s32 v1, v4;
	_ =	sdelay $0x4  }
0xbd: {  	[tilespmem:s10], [sflag:$0x3] =	stream.indirect_vreg.gather [hbm4b:s2+s3], $0x80, v4, vm0, $0xb8;
	[tilespmem:$0x10080] =	vst v63  }
0xbe: {  	s29 =	simm.s32 $0x8880;
	v3 =	vperm.xlane v3, v2  }
0xbf: {  	[tilespmem:s29], [sflag:$0x3] =	stream.indirect_vreg.gather [hbm4b:s4+s3], $0x80, v4, vm0, $0xb8;
	[tilespmem:$0x10080] =	vst v63  }
0xc0: {  	v3 =	vadd.s32 v1, v3;
	s29 =	simm.s32 $0x9080  }
0xc1: {  	[tilespmem:s29], [sflag:$0x3] =	stream.indirect_vreg.gather [hbm4b:s5+s3], $0x80, v4, vm0, $0xb8;
	[tilespmem:$0x10080] =	vst v63  }
0xc2: {  	s29 =	simm.s32 $0x9880  }
0xc3: {  	[tilespmem:s29], [sflag:$0x3] =	stream.indirect_vreg.gather [hbm4b:s6+s3], $0x80, v4, vm0, $0xb8;
	[tilespmem:$0x10080] =	vst v63  }
0xc4: {  	s29 =	simm.s32 $0xA080  }
0xc5: {  	[tilespmem:s29], [sflag:$0x3] =	stream.indirect_vreg.gather [hbm4b:s2+s3], $0x80, v3, vm0, $0xb8;
	[tilespmem:$0x10080] =	vst v63  }
0xc6: {  	s29 =	simm.s32 $0xA880  }
0xc7: {  	[tilespmem:s29], [sflag:$0x3] =	stream.indirect_vreg.gather [hbm4b:s4+s3], $0x80, v3, vm0, $0xb8;
	[tilespmem:$0x10080] =	vst v63  }
0xc8: {  	s29 =	simm.s32 $0xB080  }
0xc9: {  	[tilespmem:s29], [sflag:$0x3] =	stream.indirect_vreg.gather [hbm4b:s5+s3], $0x80, v3, vm0, $0xb8;
	[tilespmem:$0x10080] =	vst v63  }
0xca: {  	s8 =	simm.s32 $0xB880  }
0xcb: {  	[tilespmem:s8], [sflag:$0x3] =	stream.indirect_vreg.gather [hbm4b:s6+s3], $0x80, v3, vm0, $0xb8;
	[tilespmem:$0x10080] =	vst v63  }
0xcc: {  	s29 =	rddreg [dreg:$0x8]  }
0xcd: {  	[hbm4b:s29+s3] =	stream.linear.scatter [tilespmem:s20], [sflag:$0x8], $0x4000, $0x38;
	[tilespmem:$0x10080] =	vst v63  }
0xce: {  	_ =	swait.ge [sflag:s23], $0x4000  }
0xcf: {  	[sflag:s23] =	ssyncset.done $0x0  }
0xd0: {  	[sflag:s23] =	ssyncadd.s32 $0xFFFFC000  }
0xd1: {  	_ =	swait.ge [sflag:s28], $0x4000  }
0xd2: {  	[sflag:s28] =	ssyncset.done $0x0  }
0xd3: {  	[sflag:s28] =	ssyncadd.s32 $0xFFFFC000  }
0xd4: {  	v3 =	vld [tilespmem:$0x70];
	_ =	sdelay $0x4  }
0xd5: {  	v63 =	vshll.u32 v3, $0x3  }
0xd6: {  	v3 =	vand.u32 $0x7, v3;
	v4 =	vand.u32 $0xFFFFFFC0, v63  }
0xd7: {  	v3 =	vor.u32 v3, v4  }
0xd8: {  	v4 =	vperm.xlane v3, v0;
	_ =	sdelay $0x1  }
0xd9: {  	v4 =	vadd.s32 v1, v4;
	_ =	sdelay $0x4  }
0xda: {  	[tilespmem:s20], [sflag:$0x4] =	stream.indirect_vreg.gather [hbm4b:s2+s3], $0x80, v4, vm0, $0xb8;
	[tilespmem:$0x10080] =	vst v63  }
0xdb: {  	s29 =	simm.s32 $0xC880;
	v3 =	vperm.xlane v3, v2  }
0xdc: {  	[tilespmem:s29], [sflag:$0x4] =	stream.indirect_vreg.gather [hbm4b:s4+s3], $0x80, v4, vm0, $0xb8;
	[tilespmem:$0x10080] =	vst v63  }
0xdd: {  	v3 =	vadd.s32 v1, v3;
	s29 =	simm.s32 $0xD080  }
0xde: {  	[tilespmem:s29], [sflag:$0x4] =	stream.indirect_vreg.gather [hbm4b:s5+s3], $0x80, v4, vm0, $0xb8;
	[tilespmem:$0x10080] =	vst v63  }
0xdf: {  	s29 =	simm.s32 $0xD880  }
0xe0: {  	[tilespmem:s29], [sflag:$0x4] =	stream.indirect_vreg.gather [hbm4b:s6+s3], $0x80, v4, vm0, $0xb8;
	[tilespmem:$0x10080] =	vst v63  }
0xe1: {  	s29 =	simm.s32 $0xE080  }
0xe2: {  	[tilespmem:s29], [sflag:$0x4] =	stream.indirect_vreg.gather [hbm4b:s2+s3], $0x80, v3, vm0, $0xb8;
	[tilespmem:$0x10080] =	vst v63  }
0xe3: {  	s29 =	simm.s32 $0xE880  }
0xe4: {  	[tilespmem:s29], [sflag:$0x4] =	stream.indirect_vreg.gather [hbm4b:s4+s3], $0x80, v3, vm0, $0xb8;
	[tilespmem:$0x10080] =	vst v63  }
0xe5: {  	s29 =	simm.s32 $0xF080  }
0xe6: {  	[tilespmem:s29], [sflag:$0x4] =	stream.indirect_vreg.gather [hbm4b:s5+s3], $0x80, v3, vm0, $0xb8;
	[tilespmem:$0x10080] =	vst v63  }
0xe7: {  	s8 =	simm.s32 $0xF880  }
0xe8: {  	[tilespmem:s8], [sflag:$0x4] =	stream.indirect_vreg.gather [hbm4b:s6+s3], $0x80, v3, vm0, $0xb8;
	[tilespmem:$0x10080] =	vst v63  }
0xe9: {  	s29 =	rddreg [dreg:$0x9]  }
0xea: {  	[hbm4b:s29+s3] =	stream.linear.scatter [tilespmem:s17], [sflag:$0x5], $0x4000, $0x38;
	[tilespmem:$0x10080] =	vst v63  }
0xeb: {  	_ =	swait.ge [sflag:s21], $0x4000  }
0xec: {  	[sflag:s21] =	ssyncset.done $0x0  }
0xed: {  	s8 =	rddreg [dreg:$0xa];
	[sflag:s21] =	ssyncadd.s32 $0xFFFFC000  }
0xee: {  	[hbm4b:s8+s3] =	stream.linear.scatter [tilespmem:s25], [sflag:$0x6], $0x4000, $0x38;
	[tilespmem:$0x10080] =	vst v63  }
0xef: {  	_ =	swait.ge [sflag:s0], $0x4000  }
0xf0: {  	[sflag:s0] =	ssyncset.done $0x0  }
0xf1: {  	s8 =	rddreg [dreg:$0xb];
	[sflag:s0] =	ssyncadd.s32 $0xFFFFC000  }
0xf2: {  	[hbm4b:s8+s3] =	stream.linear.scatter [tilespmem:s10], [sflag:$0x7], $0x4000, $0x38;
	[tilespmem:$0x10080] =	vst v63  }
0xf3: {  	_ =	swait.ge [sflag:s24], $0x4000  }
0xf4: {  	[sflag:s24] =	ssyncset.done $0x0  }
0xf5: {  	s21 =	rddreg [dreg:$0xc];
	[sflag:s24] =	ssyncadd.s32 $0xFFFFC000  }
0xf6: {  	[hbm4b:s21+s3] =	stream.linear.scatter [tilespmem:s20], [sflag:$0x8], $0x4000, $0x38;
	[tilespmem:$0x10080] =	vst v63  }
0xf7: {  	_ =	swait.ge [sflag:s22], $0x4000  }
0xf8: {  	[sflag:s22] =	ssyncset.done $0x0  }
0xf9: {  	[sflag:s22] =	ssyncadd.s32 $0xFFFFC000  }
0xfa: {  	_ =	swait.ge [sflag:s1], $0x4000  }
0xfb: {  	[sflag:s1] =	ssyncset.done $0x0  }
0xfc: {  	[sflag:s1] =	ssyncadd.s32 $0xFFFFC000  }
0xfd: {  	p0 =	sne.s32 s7, $0x1;
	_ =	swait.ge [sflag:s26], $0x4000  }
.Ltmp0:
0xfe: {  	[sflag:s26] =	ssyncset.done $0x0;
	(pc) =	sbr.rel @p0 .LBB2_1-.Ltmp0, $4  }
0xff: {  	[sflag:s26] =	ssyncadd.s32 $0xFFFFC000  }
0x100: {  	_ =	swait.ge [sflag:s28], $0x4000  }
0x101: {  	[sflag:s28] =	ssyncset.done $0x0  }
0x102: {  	s7 =	sadd.s32 $0xFFFFFFFF, s7;
	[sflag:s28] =	ssyncadd.s32 $0xFFFFC000  }
0x103: {  	_ =	sfence.sel $0x180000  }
0x104: {  	[bflag:$0x0] =	sbarrier.arrive $0xFFFF  }
0x105: {  	_ =	strace $0x90000047  }
0x106: {  	s0 =	stileid.u32;
	[bflag:$0x2] =	sbarrier.arrive $0xFFFF  }
0x107: {  	p0 =	sne.s32 s0, $0x0;
	s0 =	rddreg [dreg:$0x3]  }
0x108: {  	s0 =	sadd.s32 @!p0 $0x100000, s0  }
0x109: {  	[sflag:s0] =	ssyncadd.tile.s32 @!p0 $0x1;
	_ =	shalt  }
.Lfunc_end2:
_tile_overlayer_lowered:
.L_overlay_start_2:
0x10a: {  	(tag) =	ssettag $0x2  }
0x10b: {  	s0 =	rddreg [dreg:$0x0];
	s2 =	stileid.u32  }
0x10c: {  	s1 =	rddreg [dreg:$0x1];
	p0 =	sne.s32 s2, $0x0  }
0x10d: {  	s3 =	rddreg [dreg:$0x2];
	[bflag:$0x3] =	sbarrier.arrive $0xFFFF;
	s2 =	simm.s32 @!p0 $0x1C09  }
0x10e: {  	[timem:s3], [sflag:s2] =	dma.local @!p0 [hbm:s0], s1  }
0x10f: {  	s0 =	simm.s32 @!p0 $0x9  }
0x110: {  	_ =	swait.ge @!p0 [sflag:s0], s1  }
0x111: {  	s1 =	ssub.s32 @!p0 $0x0, s1;
	[sflag:s0] =	ssyncset.done @!p0 $0x0  }
0x112: {  	[sflag:s0] =	ssyncadd.s32 @!p0 s1  }
0x113: {  	[bflag:$0x3] =	sbarrier.arrive $0xFFFF  }
0x114: {  	_ =	shalt  }

// kernel: kernel.9.cloned.1.call-start
scs
__scs_entry_jumppad:
0x0: {  	(pc) =	sbr.rel $0x88, $3  }
0x1: {  	(tag) =	ssettag $0x0;
	lr =	simm.s32 $0x1  }
0x2: {  	[smem:$0x3F9B] =	sst lr;
	_ =	strace $0xD0000000  }
0x3: {  	_ = 	snop  }
0x4: {  	_ = 	snop  }
0x5: {  	_ = 	snop  }
0x6: {  	_ = 	snop  }
0x7: {  	_ = 	snop  }
__scs_overlays_trampoline_lowered:
0x8: {  	[smem:$0x3FAA] =	sst s0  }
0x9: {  	[smem:$0x3FAB] =	sst s1  }
0xa: {  	[smem:$0x3FAC] =	sst s2  }
0xb: {  	[smem:$0x3FAD] =	sst s3  }
0xc: {  	[smem:$0x3FAE] =	sst s4  }
0xd: {  	[smem:$0x3FAF] =	sst s5  }
0xe: {  	[smem:$0x3FB0] =	sst s6  }
0xf: {  	[smem:$0x3FB1] =	sst s7  }
0x10: {  	[smem:$0x3FB2] =	sst s8  }
0x11: {  	[smem:$0x3FB3] =	sst s9;
	s0 =	simm.s32 @!p0 $0x0  }
0x12: {  	s1 =	sld [smem:$0x3F99];
	s0 =	simm.s32 @p0 $0x1  }
0x13: {  	[smem:$0x3FB4] =	sst s0;
	s0 =	simm.s32 @!p1 $0x0  }
0x14: {  	s2 =	sld [smem:$0x3F98];
	s0 =	simm.s32 @p1 $0x1  }
0x15: {  	[smem:$0x3FB5] =	sst s0;
	s0 =	simm.s32 @!p2 $0x0  }
0x16: {  	s3 =	sld [smem:$0x3FDB];
	s0 =	simm.s32 @p2 $0x1  }
0x17: {  	s4 =	simm.s32 $0x1BF5;
	[smem:$0x3FB7] =	sst s0  }
0x18: {  	s0 =	sld [smem:$0x3F9A];
	_ =	swait.ge [sflag:s4], $0x0  }
0x19: {  	s7 =	sld [smem:$0x3F9B]  }
0x1a: {  	s8 =	sadd.s32 $0xFFFFE003, lr  }
0x1b: {  	s9 =	sadd.s32 $0xFFFFFEF7, lr;
	s5 =	simm.s32 $0xFFFFFFFF;
	p2 =	slt.u32 s8, $0xFFFFF086  }
0x1c: {  	p1 =	slt.u32 s9, $0xF7A;
	s5 =	simm.s32 @!p2 $0x0  }
0x1d: {  	s5 =	simm.s32 @p1 $0x1;
	p0 =	seq.s32 s7, s2  }
0x1e: {  	s7 =	smul.u32 @!p0 $0xF7A, s2;
	p2 =	seq.s32 @!p0 s5, $0x0  }
0x1f: {  	s9 =	smul.u32 $0xF7A, s1;
	s8 =	simm.s32 @!p0 $0x1BF5;
	p2 =	por !p2, p0  }
0x20: {  	[sflag:s8] =	ssyncset.s32 @!p0 $0xFFFFF086;
	s6 =	sadd.s32 @!p0 s3, s7;
	s7 =	simm.s32 @!p0 $0x108  }
0x21: {  	s3 =	sadd.s32 s3, s9;
	s6 =	sadd.s32 @!p0 $0x88, s6;
	s7 =	simm.s32 @p2 $0x1082  }
0x22: {  	[simem:s7], [sflag:s8] =	dma.local @!p0 [hbm:s6], $0xF7A  }
0x23: {  	s9 =	sor.u32 $0xD0000000, s2;
	s6 =	simm.s32 $0x108;
	_ =	swait.ge @!p0 [sflag:s8], $0x0  }
0x24: {  	s3 =	sadd.s32 $0x88, s3;
	s6 =	simm.s32 @!p1 $0x1082;
	[sflag:s4] =	ssyncset.s32 $0xFFFFF086  }
0x25: {  	[simem:s6], [sflag:s4] =	dma.local [hbm:s3], $0xF7A  }
0x26: {  	[smem:$0x3F9B] =	sst s1;
	(tag) =	ssettag s2;
	_ =	strace s9  }
0x27: {  	s1 =	sld [smem:$0x3FAB]  }
0x28: {  	s2 =	sld [smem:$0x3FAC]  }
0x29: {  	s4 =	sld [smem:$0x3FAE]  }
0x2a: {  	p0 =	seq.s32 s5, $0x0;
	s5 =	sld [smem:$0x3FAF]  }
0x2b: {  	s6 =	sld [smem:$0x3FB0]  }
0x2c: {  	s7 =	sld [smem:$0x3FB1]  }
0x2d: {  	s3 =	simm.s32 $0x108;
	s8 =	sld [smem:$0x3FB2]  }
0x2e: {  	s3 =	simm.s32 @!p0 $0x1082;
	s9 =	sld [smem:$0x3FB3]  }
0x2f: {  	lr =	sadd.s32 s0, s3;
	s0 =	sld [smem:$0x3FAA]  }
0x30: {  	s3 =	sld [smem:$0x3FAD]  }
0x31: {  	[smem:$0x3FB6] =	sst s10  }
0x32: {  	s10 =	sld [smem:$0x3FB4];
	_ =	sdelay $0x3  }
0x33: {  	p0 =	seq.s32 s10, $0x1;
	s10 =	sld [smem:$0x3FB6];
	_ =	sdelay $0x3  }
0x34: {  	[smem:$0x3FB6] =	sst s10  }
0x35: {  	s10 =	sld [smem:$0x3FB5];
	_ =	sdelay $0x3  }
0x36: {  	p1 =	seq.s32 s10, $0x1;
	s10 =	sld [smem:$0x3FB6];
	_ =	sdelay $0x3  }
0x37: {  	[smem:$0x3FB6] =	sst s10  }
0x38: {  	s10 =	sld [smem:$0x3FB7]  }
0x39: {  	_ = 	snop;
	(pc) =	sbr.ind lr, $3  }
0x3a: {  	_ = 	snop  }
0x3b: {  	_ = 	snop  }
0x3c: {  	p2 =	seq.s32 s10, $0x1;
	s10 =	sld [smem:$0x3FB6]  }
0x3d: {  	_ =	shalt  }
0x3e: {  	_ =	shalt  }
0x3f: {  	_ =	shalt  }
0x40: {  	_ =	shalt  }
0x41: {  	_ =	shalt  }
0x42: {  	_ =	shalt  }
0x43: {  	_ =	shalt  }
0x44: {  	_ =	shalt  }
0x45: {  	_ =	shalt  }
0x46: {  	_ =	shalt  }
0x47: {  	_ =	shalt  }
0x48: {  	_ =	shalt  }
0x49: {  	_ =	shalt  }
0x4a: {  	_ =	shalt  }
0x4b: {  	_ =	shalt  }
0x4c: {  	_ =	shalt  }
0x4d: {  	_ =	shalt  }
0x4e: {  	_ =	shalt  }
0x4f: {  	_ =	shalt  }
0x50: {  	_ =	shalt  }
0x51: {  	_ =	shalt  }
0x52: {  	_ =	shalt  }
0x53: {  	_ =	shalt  }
0x54: {  	_ =	shalt  }
0x55: {  	_ =	shalt  }
0x56: {  	_ =	shalt  }
0x57: {  	_ =	shalt  }
0x58: {  	_ =	shalt  }
0x59: {  	_ =	shalt  }
0x5a: {  	_ =	shalt  }
0x5b: {  	_ =	shalt  }
0x5c: {  	_ =	shalt  }
0x5d: {  	_ =	shalt  }
0x5e: {  	_ =	shalt  }
0x5f: {  	_ =	shalt  }
0x60: {  	_ =	shalt  }
0x61: {  	_ =	shalt  }
0x62: {  	_ =	shalt  }
0x63: {  	_ =	shalt  }
0x64: {  	_ =	shalt  }
0x65: {  	_ =	shalt  }
0x66: {  	_ =	shalt  }
0x67: {  	_ =	shalt  }
0x68: {  	_ =	shalt  }
0x69: {  	_ =	shalt  }
0x6a: {  	_ =	shalt  }
0x6b: {  	_ =	shalt  }
0x6c: {  	_ =	shalt  }
0x6d: {  	_ =	shalt  }
0x6e: {  	_ =	shalt  }
0x6f: {  	_ =	shalt  }
0x70: {  	_ =	shalt  }
0x71: {  	_ =	shalt  }
0x72: {  	_ =	shalt  }
0x73: {  	_ =	shalt  }
0x74: {  	_ =	shalt  }
0x75: {  	_ =	shalt  }
0x76: {  	_ =	shalt  }
0x77: {  	_ =	shalt  }
0x78: {  	_ =	shalt  }
0x79: {  	_ =	shalt  }
0x7a: {  	_ =	shalt  }
0x7b: {  	_ =	shalt  }
0x7c: {  	_ =	shalt  }
0x7d: {  	_ =	shalt  }
0x7e: {  	_ =	shalt  }
0x7f: {  	_ =	shalt  }
0x80: {  	_ =	shalt  }
0x81: {  	_ =	shalt  }
0x82: {  	_ =	shalt  }
0x83: {  	_ =	shalt  }
0x84: {  	_ =	shalt  }
0x85: {  	_ =	shalt  }
0x86: {  	_ =	shalt  }
0x87: {  	_ =	shalt  }
.Lfunc_end0:
.L_simem_size_0:
called_computation.1_lowered:
.L_overlay_start_0:
0x88: {  	s2 =	sld [smem:$0x3FD9]  }
0x89: {  	s3 =	sld [smem:$0x3FFE];
	_ =	sdelay $0x1  }
0x8a: {  	s1 =	srdreg.scid  }
0x8b: {  	s0 =	sand.u32 $0x1, s1  }
0x8c: {  	s17 =	sshll.u32 s0, $0xA;
	s2 =	sadd.s32 s3, s2  }
0x8d: {  	s2 =	sadd.s32 s2, s17  }
0x8e: {  	[smem:$0x3FC2] =	sst s2  }
0x8f: {  	_ = 	snop  }
0x90: {  	s18 =	sld [smem:$0x3FC9]  }
0x91: {  	s4 =	sld [smem:$0x3FC7];
	(tm) =	ssettm $0x1  }
0x92: {  	s19 =	sld [smem:$0x3FFB];
	_ =	sdelay $0x3  }
0x93: {  	_ =	strace s19  }
0x94: {  	s2 =	sld [smem:$0x3FFC];
	_ =	sdelay $0x3  }
0x95: {  	_ =	strace s2  }
0x96: {  	s2 =	sld [smem:$0x3FFD];
	_ =	sdelay $0x3  }
0x97: {  	_ =	strace s2  }
0x98: {  	_ =	strace $0x8FFFFFFF  }
0x99: {  	s20 =	sld [smem:$0x3FDB];
	_ =	sdelay $0x1  }
0x9a: {  	s5 =	simm.s32 $_scs_section_size  }
0x9b: {  	s6 =	simm.s32 $_size__tile_overlayer_lowered;
	s7 =	simm.s32 $_tile_overlayer_lowered  }
0x9c: {  	s8 =	simm.s32 $0x1BFF;
	s21 =	sshll.u32 s7, $0x1;
	s5 =	sadd.s32 s5, s20  }
0x9d: {  	s22 =	simm.s32 $0x0;
	s6 =	sshll.u32 s6, $0x1;
	s7 =	sadd.s32 s21, s5  }
0x9e: {  	[timem:s22], [sflag:s8] =	dma.local [hbm:s7], s6  }
0x9f: {  	_ =	swait.ge [sflag:s8], s6  }
0xa0: {  	s6 =	ssub.s32 $0x0, s6;
	[sflag:s8] =	ssyncset.done $0x0  }
0xa1: {  	[sflag:s8] =	ssyncadd.s32 s6;
	_ =	sdelay $0x1  }
0xa2: {  	s23 =	simm.s32 $0x1B8B  }
0xa3: {  	_ =	swait.ge [sflag:s23], $0x1  }
0xa4: {  	[sflag:s23] =	ssyncset.done $0x0  }
0xa5: {  	[sflag:s23] =	ssyncadd.s32 $0xFFFFFFFF  }
0xa6: {  	s6 =	sld [smem:$0x0]  }
0xa7: {  	s7 =	sand.u32 $0xFFFFFFFE, s1  }
0xa8: {  	p0 =	sne.s32 s1, s7  }
0xa9: {  	s7 =	sshll.u32 @p0 s7, $0xE  }
0xaa: {  	s7 =	sadd.s32 @p0 $0x11B8D, s7;
	s8 =	sshll.u32 @p0 s6, $0x11  }
0xab: {  	s7 =	sor.u32 @p0 s8, s7  }
0xac: {  	[sflag:s7] =	ssyncadd.remote.s32 @p0 $0x1;
	_ =	sdelay $0x1  }
0xad: {  	s7 =	simm.s32 @p0 $0x1B8D  }
0xae: {  	_ =	swait.eq @p0 [sflag:s7], $0x1  }
0xaf: {  	[sflag:s7] =	ssyncadd.s32 @p0 $0xFFFFFFFF  }
0xb0: {  	s8 =	sshll.u32 @!p0 s1, $0xE  }
0xb1: {  	s8 =	sor.u32 @!p0 $0x4000, s8;
	s7 =	simm.s32 @!p0 $0x1B8D  }
0xb2: {  	s6 =	sshll.u32 @!p0 s6, $0x11;
	s8 =	sadd.s32 @!p0 $0x11B8D, s8;
	_ =	swait.eq @!p0 [sflag:s7], $0x1  }
0xb3: {  	s6 =	sor.u32 @!p0 s6, s8;
	[sflag:s7] =	ssyncadd.s32 @!p0 $0xFFFFFFFF  }
0xb4: {  	s25 =	simm.s32 $0x1B8E;
	s24 =	sld [smem:$0x3FFE];
	[sflag:s6] =	ssyncadd.remote.s32 @!p0 $0x1  }
0xb5: {  	s26 =	simm.s32 $execute0_lowered;
	[smem:$0x3FD2] =	sst s25  }
0xb6: {  	s7 =	sshll.u32 s26, $0x1;
	_ =	strace $0x80000049;
	[dreg:$0x1] =	wrdreg $0xFFFFFFFF  }
0xb7: {  	s28 =	simm.s32 $_size_execute0_lowered;
	s5 =	sadd.s32 s5, s7;
	[dreg:$0x0] =	wrdreg $0x0  }
0xb8: {  	s7 =	sshll.u32 s28, $0x1;
	[dreg:$0x2] =	wrdreg s5  }
0xb9: {  	[dreg:$0x3] =	wrdreg s7  }
0xba: {  	[dreg:$0x4] =	wrdreg $0xC0  }
0xbb: {  	_ =	task [dreg:s22], $0x5FFFF  }
0xbc: {  	[dreg:$0x1] =	wrdreg $0xFFFFFFFF  }
0xbd: {  	[dreg:$0x0] =	wrdreg $0x60  }
0xbe: {  	[dreg:$0x2] =	wrdreg s18  }
0xbf: {  	[dreg:$0x3] =	wrdreg s4  }
0xc0: {  	[dreg:$0x4] =	wrdreg s24  }
0xc1: {  	[dreg:$0x5] =	wrdreg $0xA  }
0xc2: {  	_ =	task.clear_ibuf [dreg:s22], $0x6FFFF;
	_ =	strace $0x90000049  }
0xc3: {  	s29 =	simm.s32 $0xA;
	_ =	strace $0x8000004B  }
0xc4: {  	_ =	swait.ge [sflag:s29], $0x1  }
0xc5: {  	[sflag:s29] =	ssyncadd.s32 $0xFFFFFFFF  }
0xc6: {  	_ =	strace $0x9000004B  }
0xc7: {  	_ =	sfence  }
0xc8: {  	s30 =	sld [smem:$0x0];
	_ =	sdelay $0x2  }
0xc9: {  	s31 =	sshll.u32 s1, $0xD;
	s1 =	sshrl.u32 s1, $0x2  }
0xca: {  	s4 =	sand.u32 $0x4000, s31;
	s1 =	sadd.s32 s1, s30  }
0xcb: {  	s0 =	sor.u32 s4, s0;
	s1 =	sshll.u32 s1, $0x11  }
0xcc: {  	s0 =	sor.u32 s1, s0  }
0xcd: {  	s0 =	sadd.s32 $0x8F2B, s0  }
0xce: {  	[sflag:s0] =	ssyncadd.remote.s32 $0x1  }
0xcf: {  	_ =	sfence.sel $0xFFFF  }
0xd0: {  	[dreg:$0x0] =	wrdreg $0xFFFFFFFF;
	(pc) =	sbr.abs _section_cstart, $3  }
0xd1: {  	[dreg:$0x1] =	wrdreg $0xFFFFFFFF  }
0xd2: {  	_ =	task.clear_ibuf [dreg:s22], $0x2FFFF;
	_ =	strace $0x9FFFFFFF  }
0xd3: {  	(tm) =	ssettm $0x7FFFFFFF  }
tec
execute0_lowered:
.L_overlay_start_1:
0x0: {  	(tag) =	ssettag $0x1  }
0x1: {  	s4 =	rddreg [dreg:$0x0]  }
0x2: {  	s0 =	srdreg.scid;
	s2 =	rddreg [dreg:$0x1]  }
0x3: {  	s5 =	stileid.u32;
	s6 =	rddreg [dreg:$0x2]  }
0x4: {  	s28 =	simm.s32 $0x8;
	s17 =	simm.s32 $0x80;
	s30 =	simm.s32 $0x880  }
0x5: {  	s31 =	simm.s32 $0x1080;
	s12 =	simm.s32 $0x2880;
	s13 =	simm.s32 $0x3080  }
0x6: {  	s14 =	simm.s32 $0x3880;
	s15 =	simm.s32 $0x4880;
	s16 =	simm.s32 $0x5080  }
0x7: {  	s18 =	simm.s32 $0x5880;
	s19 =	simm.s32 $0x6080;
	s9 =	simm.s32 $0x7080  }
0x8: {  	s11 =	simm.s32 $0x7880;
	s0 =	sand.u32 $0x1, s0;
	s1 =	sshll.u32 s5, $0x1  }
0x9: {  	s10 =	simm.s32 $0x8080;
	s5 =	sshll.u32 s5, $0x2;
	s1 =	sor.u32 s0, s1  }
0xa: {  	s0 =	ssub.s32 $0x2, s0;
	s3 =	sshll.u32 s1, $0x6;
	s1 =	sshll.u32 s1, $0xE  }
0xb: {  	s5 =	sor.u32 s3, s5;
	s3 =	simm.s32 $0x0;
	s1 =	sadd.s32 s1, s6  }
0xc: {  	s25 =	sshrl.u32 s0, $0x1;
	[smem:$0x7FF] =	sst s3;
	s20 =	sadd.s32 $0x81000, s1  }
0xd: {  	s21 =	sadd.s32 $0x81800, s1;
	_ =	strace $0x8000004A;
	[dreg:$0x5] =	wrdreg s20  }
0xe: {  	s0 =	ssub.s32 s0, s25;
	s22 =	sadd.s32 $0x82000, s1;
	[dreg:$0x6] =	wrdreg s21  }
0xf: {  	s6 =	sadd.s32 $0x300, s2;
	s23 =	sadd.s32 $0x82800, s1;
	[dreg:$0x7] =	wrdreg s22  }
0x10: {  	s25 =	simm.s32 $0x4080;
	s24 =	sadd.s32 $0x83000, s1;
	[dreg:$0x8] =	wrdreg s23  }
0x11: {  	s5 =	sand.u32 $0x1F0, s5;
	s26 =	sadd.s32 $0x83800, s1;
	[dreg:$0x9] =	wrdreg s24  }
0x12: {  	s29 =	sadd.s32 $0x84000, s1;
	s1 =	sadd.s32 $0x84800, s1;
	[dreg:$0xa] =	wrdreg s26  }
0x13: {  	s7 =	smax.u32 s0, $0x1;
	s4 =	sadd.s32 s5, s4;
	[dreg:$0xb] =	wrdreg s29  }
0x14: {  	v2 =	vlaneseq.u32;
	s5 =	sadd.s32 $0x200, s2;
	[dreg:$0xc] =	wrdreg s1;
	s24 =	simm.s32 $0x4  }
0x15: {  	vm0 =	vmmov $0xffff;
	v1 =	vshrl.u32 v2, $0x3;
	s26 =	simm.s32 $0x7;
	s23 =	simm.s32 $0x1;
	s4 =	sadd.s32 $0x200, s4  }
0x16: {  	v0 =	vand.u32 $0x7, v2;
	v2 =	vor.u32 $0x8, v2;
	v1 =	vmul.u32 $0x8, v1;
	s22 =	simm.s32 $0x5;
	[dreg:$0x4] =	wrdreg s4;
	s4 =	sadd.s32 $0x100, s2  }
.LBB2_1:
0x17: {  	s29 =	rddreg [dreg:$0x4];
	s0 =	simm.s32 $0x9  }
0x18: {  	[tilespmem:s3], [sflag:$0x9] =	stream.linear.gather [hbm4b:s29+s3], $0x80, $0x38;
	[tilespmem:$0x10080] =	vst v63  }
0x19: {  	_ =	swait.ge [sflag:s0], $0x80  }
0x1a: {  	[sflag:s0] =	ssyncset.done $0x0  }
0x1b: {  	[sflag:s0] =	ssyncadd.s32 $0xFFFFFF80  }
0x1c: {  	v3 =	vld [tilespmem:$0x0];
	_ =	sdelay $0x4  }
0x1d: {  	v4 =	vshll.u32 v3, $0x3  }
0x1e: {  	v3 =	vand.u32 $0x7, v3;
	v4 =	vand.u32 $0xFFFFFFC0, v4  }
0x1f: {  	v3 =	vor.u32 v3, v4  }
0x20: {  	v4 =	vperm.xlane v3, v0;
	_ =	sdelay $0x1  }
0x21: {  	v4 =	vadd.s32 v1, v4;
	_ =	sdelay $0x4  }
0x22: {  	[tilespmem:s17], [sflag:$0x1] =	stream.indirect_vreg.gather [hbm4b:s2+s3], $0x80, v4, vm0, $0xb8;
	[tilespmem:$0x10080] =	vst v63  }
0x23: {  	v3 =	vperm.xlane v3, v2  }
0x24: {  	[tilespmem:s30], [sflag:$0x1] =	stream.indirect_vreg.gather [hbm4b:s4+s3], $0x80, v4, vm0, $0xb8;
	[tilespmem:$0x10080] =	vst v63  }
0x25: {  	v3 =	vadd.s32 v1, v3  }
0x26: {  	[tilespmem:s31], [sflag:$0x1] =	stream.indirect_vreg.gather [hbm4b:s5+s3], $0x80, v4, vm0, $0xb8;
	[tilespmem:$0x10080] =	vst v63  }
0x27: {  	s1 =	simm.s32 $0x1880  }
0x28: {  	[tilespmem:s1], [sflag:$0x1] =	stream.indirect_vreg.gather [hbm4b:s6+s3], $0x80, v4, vm0, $0xb8;
	[tilespmem:$0x10080] =	vst v63  }
0x29: {  	s0 =	simm.s32 $0x2080  }
0x2a: {  	[tilespmem:s0], [sflag:$0x1] =	stream.indirect_vreg.gather [hbm4b:s2+s3], $0x80, v3, vm0, $0xb8;
	[tilespmem:$0x10080] =	vst v63  }
0x2b: {  	_ = 	snop  }
0x2c: {  	[tilespmem:s12], [sflag:$0x1] =	stream.indirect_vreg.gather [hbm4b:s4+s3], $0x80, v3, vm0, $0xb8;
	[tilespmem:$0x10080] =	vst v63  }
0x2d: {  	_ = 	snop  }
0x2e: {  	[tilespmem:s13], [sflag:$0x1] =	stream.indirect_vreg.gather [hbm4b:s5+s3], $0x80, v3, vm0, $0xb8;
	[tilespmem:$0x10080] =	vst v63  }
0x2f: {  	_ = 	snop  }
0x30: {  	[tilespmem:s14], [sflag:$0x1] =	stream.indirect_vreg.gather [hbm4b:s6+s3], $0x80, v3, vm0, $0xb8;
	[tilespmem:$0x10080] =	vst v63  }
0x31: {  	v3 =	vld [tilespmem:$0x10];
	_ =	sdelay $0x4  }
0x32: {  	v57 =	vshll.u32 v3, $0x3  }
0x33: {  	v3 =	vand.u32 $0x7, v3;
	v4 =	vand.u32 $0xFFFFFFC0, v57  }
0x34: {  	v3 =	vor.u32 v3, v4  }
0x35: {  	v4 =	vperm.xlane v3, v0;
	_ =	sdelay $0x1  }
0x36: {  	v4 =	vadd.s32 v1, v4;
	_ =	sdelay $0x4  }
0x37: {  	[tilespmem:s25], [sflag:$0x2] =	stream.indirect_vreg.gather [hbm4b:s2+s3], $0x80, v4, vm0, $0xb8;
	[tilespmem:$0x10080] =	vst v63  }
0x38: {  	v3 =	vperm.xlane v3, v2  }
0x39: {  	[tilespmem:s15], [sflag:$0x2] =	stream.indirect_vreg.gather [hbm4b:s4+s3], $0x80, v4, vm0, $0xb8;
	[tilespmem:$0x10080] =	vst v63  }
0x3a: {  	v3 =	vadd.s32 v1, v3  }
0x3b: {  	[tilespmem:s16], [sflag:$0x2] =	stream.indirect_vreg.gather [hbm4b:s5+s3], $0x80, v4, vm0, $0xb8;
	[tilespmem:$0x10080] =	vst v63  }
0x3c: {  	_ = 	snop  }
0x3d: {  	[tilespmem:s18], [sflag:$0x2] =	stream.indirect_vreg.gather [hbm4b:s6+s3], $0x80, v4, vm0, $0xb8;
	[tilespmem:$0x10080] =	vst v63  }
0x3e: {  	_ = 	snop  }
0x3f: {  	[tilespmem:s19], [sflag:$0x2] =	stream.indirect_vreg.gather [hbm4b:s2+s3], $0x80, v3, vm0, $0xb8;
	[tilespmem:$0x10080] =	vst v63  }
0x40: {  	s8 =	simm.s32 $0x6880  }
0x41: {  	[tilespmem:s8], [sflag:$0x2] =	stream.indirect_vreg.gather [hbm4b:s4+s3], $0x80, v3, vm0, $0xb8;
	[tilespmem:$0x10080] =	vst v63  }
0x42: {  	_ = 	snop  }
0x43: {  	[tilespmem:s9], [sflag:$0x2] =	stream.indirect_vreg.gather [hbm4b:s5+s3], $0x80, v3, vm0, $0xb8;
	[tilespmem:$0x10080] =	vst v63  }
0x44: {  	_ = 	snop  }
0x45: {  	[tilespmem:s11], [sflag:$0x2] =	stream.indirect_vreg.gather [hbm4b:s6+s3], $0x80, v3, vm0, $0xb8;
	[tilespmem:$0x10080] =	vst v63  }
0x46: {  	v3 =	vld [tilespmem:$0x20];
	_ =	sdelay $0x4  }
0x47: {  	v58 =	vshll.u32 v3, $0x3  }
0x48: {  	v3 =	vand.u32 $0x7, v3;
	v4 =	vand.u32 $0xFFFFFFC0, v58  }
0x49: {  	v3 =	vor.u32 v3, v4  }
0x4a: {  	v4 =	vperm.xlane v3, v0;
	_ =	sdelay $0x1  }
0x4b: {  	v4 =	vadd.s32 v1, v4;
	_ =	sdelay $0x4  }
0x4c: {  	[tilespmem:s10], [sflag:$0x3] =	stream.indirect_vreg.gather [hbm4b:s2+s3], $0x80, v4, vm0, $0xb8;
	[tilespmem:$0x10080] =	vst v63  }
0x4d: {  	s20 =	simm.s32 $0x8880;
	v3 =	vperm.xlane v3, v2  }
0x4e: {  	[tilespmem:s20], [sflag:$0x3] =	stream.indirect_vreg.gather [hbm4b:s4+s3], $0x80, v4, vm0, $0xb8;
	[tilespmem:$0x10080] =	vst v63  }
0x4f: {  	s29 =	simm.s32 $0x9080;
	v3 =	vadd.s32 v1, v3  }
0x50: {  	[tilespmem:s29], [sflag:$0x3] =	stream.indirect_vreg.gather [hbm4b:s5+s3], $0x80, v4, vm0, $0xb8;
	[tilespmem:$0x10080] =	vst v63  }
0x51: {  	s21 =	simm.s32 $0x9880  }
0x52: {  	[tilespmem:s21], [sflag:$0x3] =	stream.indirect_vreg.gather [hbm4b:s6+s3], $0x80, v4, vm0, $0xb8;
	[tilespmem:$0x10080] =	vst v63  }
0x53: {  	s29 =	simm.s32 $0xA080  }
0x54: {  	[tilespmem:s29], [sflag:$0x3] =	stream.indirect_vreg.gather [hbm4b:s2+s3], $0x80, v3, vm0, $0xb8;
	[tilespmem:$0x10080] =	vst v63  }
0x55: {  	s21 =	simm.s32 $0xA880  }
0x56: {  	[tilespmem:s21], [sflag:$0x3] =	stream.indirect_vreg.gather [hbm4b:s4+s3], $0x80, v3, vm0, $0xb8;
	[tilespmem:$0x10080] =	vst v63  }
0x57: {  	s29 =	simm.s32 $0xB080  }
0x58: {  	[tilespmem:s29], [sflag:$0x3] =	stream.indirect_vreg.gather [hbm4b:s5+s3], $0x80, v3, vm0, $0xb8;
	[tilespmem:$0x10080] =	vst v63  }
0x59: {  	s21 =	simm.s32 $0xB880  }
0x5a: {  	[tilespmem:s21], [sflag:$0x3] =	stream.indirect_vreg.gather [hbm4b:s6+s3], $0x80, v3, vm0, $0xb8;
	[tilespmem:$0x10080] =	vst v63  }
0x5b: {  	_ =	swait.ge [sflag:s23], $0x4000  }
0x5c: {  	[sflag:s23] =	ssyncset.done $0x0  }
0x5d: {  	[sflag:s23] =	ssyncadd.s32 $0xFFFFC000  }
0x5e: {  	v3 =	vld [tilespmem:$0x30];
	_ =	sdelay $0x4  }
0x5f: {  	v59 =	vshll.u32 v3, $0x3  }
0x60: {  	v3 =	vand.u32 $0x7, v3;
	v4 =	vand.u32 $0xFFFFFFC0, v59  }
0x61: {  	v3 =	vor.u32 v3, v4  }
0x62: {  	v4 =	vperm.xlane v3, v0;
	_ =	sdelay $0x1  }
0x63: {  	v4 =	vadd.s32 v1, v4;
	_ =	sdelay $0x3  }
0x64: {  	s20 =	simm.s32 $0xC080  }
0x65: {  	[tilespmem:s20], [sflag:$0x4] =	stream.indirect_vreg.gather [hbm4b:s2+s3], $0x80, v4, vm0, $0xb8;
	[tilespmem:$0x10080] =	vst v63  }
0x66: {  	s21 =	simm.s32 $0xC880;
	v3 =	vperm.xlane v3, v2  }
0x67: {  	[tilespmem:s21], [sflag:$0x4] =	stream.indirect_vreg.gather [hbm4b:s4+s3], $0x80, v4, vm0, $0xb8;
	[tilespmem:$0x10080] =	vst v63  }
0x68: {  	s29 =	simm.s32 $0xD080;
	v3 =	vadd.s32 v1, v3  }
0x69: {  	[tilespmem:s29], [sflag:$0x4] =	stream.indirect_vreg.gather [hbm4b:s5+s3], $0x80, v4, vm0, $0xb8;
	[tilespmem:$0x10080] =	vst v63  }
0x6a: {  	s29 =	simm.s32 $0xD880  }
0x6b: {  	[tilespmem:s29], [sflag:$0x4] =	stream.indirect_vreg.gather [hbm4b:s6+s3], $0x80, v4, vm0, $0xb8;
	[tilespmem:$0x10080] =	vst v63  }
0x6c: {  	s29 =	simm.s32 $0xE080  }
0x6d: {  	[tilespmem:s29], [sflag:$0x4] =	stream.indirect_vreg.gather [hbm4b:s2+s3], $0x80, v3, vm0, $0xb8;
	[tilespmem:$0x10080] =	vst v63  }
0x6e: {  	s29 =	simm.s32 $0xE880  }
0x6f: {  	[tilespmem:s29], [sflag:$0x4] =	stream.indirect_vreg.gather [hbm4b:s4+s3], $0x80, v3, vm0, $0xb8;
	[tilespmem:$0x10080] =	vst v63  }
0x70: {  	s29 =	simm.s32 $0xF080  }
0x71: {  	[tilespmem:s29], [sflag:$0x4] =	stream.indirect_vreg.gather [hbm4b:s5+s3], $0x80, v3, vm0, $0xb8;
	[tilespmem:$0x10080] =	vst v63  }
0x72: {  	s21 =	simm.s32 $0xF880  }
0x73: {  	[tilespmem:s21], [sflag:$0x4] =	stream.indirect_vreg.gather [hbm4b:s6+s3], $0x80, v3, vm0, $0xb8;
	[tilespmem:$0x10080] =	vst v63  }
0x74: {  	s29 =	rddreg [dreg:$0x5];
	s21 =	simm.s32 $0x2  }
0x75: {  	[hbm4b:s29+s3] =	stream.linear.scatter [tilespmem:s17], [sflag:$0x5], $0x4000, $0x38;
	[tilespmem:$0x10080] =	vst v63  }
0x76: {  	_ =	swait.ge [sflag:s21], $0x4000  }
0x77: {  	[sflag:s21] =	ssyncset.done $0x0  }
0x78: {  	[sflag:s21] =	ssyncadd.s32 $0xFFFFC000  }
0x79: {  	_ =	swait.ge [sflag:s22], $0x4000  }
0x7a: {  	[sflag:s22] =	ssyncset.done $0x0  }
0x7b: {  	[sflag:s22] =	ssyncadd.s32 $0xFFFFC000  }
0x7c: {  	v3 =	vld [tilespmem:$0x40];
	_ =	sdelay $0x4  }
0x7d: {  	v60 =	vshll.u32 v3, $0x3  }
0x7e: {  	v3 =	vand.u32 $0x7, v3;
	v4 =	vand.u32 $0xFFFFFFC0, v60  }
0x7f: {  	v3 =	vor.u32 v3, v4  }
0x80: {  	v4 =	vperm.xlane v3, v0;
	_ =	sdelay $0x1  }
0x81: {  	v4 =	vadd.s32 v1, v4;
	_ =	sdelay $0x4  }
0x82: {  	[tilespmem:s17], [sflag:$0x1] =	stream.indirect_vreg.gather [hbm4b:s2+s3], $0x80, v4, vm0, $0xb8;
	[tilespmem:$0x10080] =	vst v63  }
0x83: {  	v3 =	vperm.xlane v3, v2  }
0x84: {  	[tilespmem:s30], [sflag:$0x1] =	stream.indirect_vreg.gather [hbm4b:s4+s3], $0x80, v4, vm0, $0xb8;
	[tilespmem:$0x10080] =	vst v63  }
0x85: {  	v3 =	vadd.s32 v1, v3  }
0x86: {  	[tilespmem:s31], [sflag:$0x1] =	stream.indirect_vreg.gather [hbm4b:s5+s3], $0x80, v4, vm0, $0xb8;
	[tilespmem:$0x10080] =	vst v63  }
0x87: {  	_ = 	snop  }
0x88: {  	[tilespmem:s1], [sflag:$0x1] =	stream.indirect_vreg.gather [hbm4b:s6+s3], $0x80, v4, vm0, $0xb8;
	[tilespmem:$0x10080] =	vst v63  }
0x89: {  	_ = 	snop  }
0x8a: {  	[tilespmem:s0], [sflag:$0x1] =	stream.indirect_vreg.gather [hbm4b:s2+s3], $0x80, v3, vm0, $0xb8;
	[tilespmem:$0x10080] =	vst v63  }
0x8b: {  	_ = 	snop  }
0x8c: {  	[tilespmem:s12], [sflag:$0x1] =	stream.indirect_vreg.gather [hbm4b:s4+s3], $0x80, v3, vm0, $0xb8;
	[tilespmem:$0x10080] =	vst v63  }
0x8d: {  	_ = 	snop  }
0x8e: {  	[tilespmem:s13], [sflag:$0x1] =	stream.indirect_vreg.gather [hbm4b:s5+s3], $0x80, v3, vm0, $0xb8;
	[tilespmem:$0x10080] =	vst v63  }
0x8f: {  	_ = 	snop  }
0x90: {  	[tilespmem:s14], [sflag:$0x1] =	stream.indirect_vreg.gather [hbm4b:s6+s3], $0x80, v3, vm0, $0xb8;
	[tilespmem:$0x10080] =	vst v63  }
0x91: {  	s1 =	rddreg [dreg:$0x6];
	s0 =	simm.s32 $0x3  }
0x92: {  	[hbm4b:s1+s3] =	stream.linear.scatter [tilespmem:s25], [sflag:$0x6], $0x4000, $0x38;
	[tilespmem:$0x10080] =	vst v63  }
0x93: {  	_ =	swait.ge [sflag:s0], $0x4000  }
0x94: {  	[sflag:s0] =	ssyncset.done $0x0  }
0x95: {  	s1 =	simm.s32 $0x6;
	[sflag:s0] =	ssyncadd.s32 $0xFFFFC000  }
0x96: {  	_ =	swait.ge [sflag:s1], $0x4000  }
0x97: {  	[sflag:s1] =	ssyncset.done $0x0  }
0x98: {  	[sflag:s1] =	ssyncadd.s32 $0xFFFFC000  }
0x99: {  	v3 =	vld [tilespmem:$0x50];
	_ =	sdelay $0x4  }
0x9a: {  	v61 =	vshll.u32 v3, $0x3  }
0x9b: {  	v3 =	vand.u32 $0x7, v3;
	v4 =	vand.u32 $0xFFFFFFC0, v61  }
0x9c: {  	v3 =	vor.u32 v3, v4  }
0x9d: {  	v4 =	vperm.xlane v3, v0;
	_ =	sdelay $0x1  }
0x9e: {  	v4 =	vadd.s32 v1, v4;
	_ =	sdelay $0x4  }
0x9f: {  	[tilespmem:s25], [sflag:$0x2] =	stream.indirect_vreg.gather [hbm4b:s2+s3], $0x80, v4, vm0, $0xb8;
	[tilespmem:$0x10080] =	vst v63  }
0xa0: {  	v3 =	vperm.xlane v3, v2  }
0xa1: {  	[tilespmem:s15], [sflag:$0x2] =	stream.indirect_vreg.gather [hbm4b:s4+s3], $0x80, v4, vm0, $0xb8;
	[tilespmem:$0x10080] =	vst v63  }
0xa2: {  	v3 =	vadd.s32 v1, v3  }
0xa3: {  	[tilespmem:s16], [sflag:$0x2] =	stream.indirect_vreg.gather [hbm4b:s5+s3], $0x80, v4, vm0, $0xb8;
	[tilespmem:$0x10080] =	vst v63  }
0xa4: {  	_ = 	snop  }
0xa5: {  	[tilespmem:s18], [sflag:$0x2] =	stream.indirect_vreg.gather [hbm4b:s6+s3], $0x80, v4, vm0, $0xb8;
	[tilespmem:$0x10080] =	vst v63  }
0xa6: {  	_ = 	snop  }
0xa7: {  	[tilespmem:s19], [sflag:$0x2] =	stream.indirect_vreg.gather [hbm4b:s2+s3], $0x80, v3, vm0, $0xb8;
	[tilespmem:$0x10080] =	vst v63  }
0xa8: {  	_ = 	snop  }
0xa9: {  	[tilespmem:s8], [sflag:$0x2] =	stream.indirect_vreg.gather [hbm4b:s4+s3], $0x80, v3, vm0, $0xb8;
	[tilespmem:$0x10080] =	vst v63  }
0xaa: {  	_ = 	snop  }
0xab: {  	[tilespmem:s9], [sflag:$0x2] =	stream.indirect_vreg.gather [hbm4b:s5+s3], $0x80, v3, vm0, $0xb8;
	[tilespmem:$0x10080] =	vst v63  }
0xac: {  	_ = 	snop  }
0xad: {  	[tilespmem:s11], [sflag:$0x2] =	stream.indirect_vreg.gather [hbm4b:s6+s3], $0x80, v3, vm0, $0xb8;
	[tilespmem:$0x10080] =	vst v63  }
0xae: {  	s8 =	rddreg [dreg:$0x7]  }
0xaf: {  	[hbm4b:s8+s3] =	stream.linear.scatter [tilespmem:s10], [sflag:$0x7], $0x4000, $0x38;
	[tilespmem:$0x10080] =	vst v63  }
0xb0: {  	_ =	swait.ge [sflag:s24], $0x4000  }
0xb1: {  	[sflag:s24] =	ssyncset.done $0x0  }
0xb2: {  	[sflag:s24] =	ssyncadd.s32 $0xFFFFC000  }
0xb3: {  	_ =	swait.ge [sflag:s26], $0x4000  }
0xb4: {  	[sflag:s26] =	ssyncset.done $0x0  }
0xb5: {  	[sflag:s26] =	ssyncadd.s32 $0xFFFFC000  }
0xb6: {  	v3 =	vld [tilespmem:$0x60];
	_ =	sdelay $0x4  }
0xb7: {  	v62 =	vshll.u32 v3, $0x3  }
0xb8: {  	v3 =	vand.u32 $0x7, v3;
	v4 =	vand.u32 $0xFFFFFFC0, v62  }
0xb9: {  	v3 =	vor.u32 v3, v4  }
0xba: {  	v4 =	vperm.xlane v3, v0;
	_ =	sdelay $0x1  }
0xbb: {  	v4 =	vadd.s32 v1, v4;
	_ =	sdelay $0x4  }
0xbc: {  	[tilespmem:s10], [sflag:$0x3] =	stream.indirect_vreg.gather [hbm4b:s2+s3], $0x80, v4, vm0, $0xb8;
	[tilespmem:$0x10080] =	vst v63  }
0xbd: {  	s29 =	simm.s32 $0x8880;
	v3 =	vperm.xlane v3, v2  }
0xbe: {  	[tilespmem:s29], [sflag:$0x3] =	stream.indirect_vreg.gather [hbm4b:s4+s3], $0x80, v4, vm0, $0xb8;
	[tilespmem:$0x10080] =	vst v63  }
0xbf: {  	v3 =	vadd.s32 v1, v3;
	s29 =	simm.s32 $0x9080  }
0xc0: {  	[tilespmem:s29], [sflag:$0x3] =	stream.indirect_vreg.gather [hbm4b:s5+s3], $0x80, v4, vm0, $0xb8;
	[tilespmem:$0x10080] =	vst v63  }
0xc1: {  	s29 =	simm.s32 $0x9880  }
0xc2: {  	[tilespmem:s29], [sflag:$0x3] =	stream.indirect_vreg.gather [hbm4b:s6+s3], $0x80, v4, vm0, $0xb8;
	[tilespmem:$0x10080] =	vst v63  }
0xc3: {  	s29 =	simm.s32 $0xA080  }
0xc4: {  	[tilespmem:s29], [sflag:$0x3] =	stream.indirect_vreg.gather [hbm4b:s2+s3], $0x80, v3, vm0, $0xb8;
	[tilespmem:$0x10080] =	vst v63  }
0xc5: {  	s29 =	simm.s32 $0xA880  }
0xc6: {  	[tilespmem:s29], [sflag:$0x3] =	stream.indirect_vreg.gather [hbm4b:s4+s3], $0x80, v3, vm0, $0xb8;
	[tilespmem:$0x10080] =	vst v63  }
0xc7: {  	s29 =	simm.s32 $0xB080  }
0xc8: {  	[tilespmem:s29], [sflag:$0x3] =	stream.indirect_vreg.gather [hbm4b:s5+s3], $0x80, v3, vm0, $0xb8;
	[tilespmem:$0x10080] =	vst v63  }
0xc9: {  	s8 =	simm.s32 $0xB880  }
0xca: {  	[tilespmem:s8], [sflag:$0x3] =	stream.indirect_vreg.gather [hbm4b:s6+s3], $0x80, v3, vm0, $0xb8;
	[tilespmem:$0x10080] =	vst v63  }
0xcb: {  	s29 =	rddreg [dreg:$0x8]  }
0xcc: {  	[hbm4b:s29+s3] =	stream.linear.scatter [tilespmem:s20], [sflag:$0x8], $0x4000, $0x38;
	[tilespmem:$0x10080] =	vst v63  }
0xcd: {  	_ =	swait.ge [sflag:s23], $0x4000  }
0xce: {  	[sflag:s23] =	ssyncset.done $0x0  }
0xcf: {  	[sflag:s23] =	ssyncadd.s32 $0xFFFFC000  }
0xd0: {  	_ =	swait.ge [sflag:s28], $0x4000  }
0xd1: {  	[sflag:s28] =	ssyncset.done $0x0  }
0xd2: {  	[sflag:s28] =	ssyncadd.s32 $0xFFFFC000  }
0xd3: {  	v3 =	vld [tilespmem:$0x70];
	_ =	sdelay $0x4  }
0xd4: {  	v63 =	vshll.u32 v3, $0x3  }
0xd5: {  	v3 =	vand.u32 $0x7, v3;
	v4 =	vand.u32 $0xFFFFFFC0, v63  }
0xd6: {  	v3 =	vor.u32 v3, v4  }
0xd7: {  	v4 =	vperm.xlane v3, v0;
	_ =	sdelay $0x1  }
0xd8: {  	v4 =	vadd.s32 v1, v4;
	_ =	sdelay $0x4  }
0xd9: {  	[tilespmem:s20], [sflag:$0x4] =	stream.indirect_vreg.gather [hbm4b:s2+s3], $0x80, v4, vm0, $0xb8;
	[tilespmem:$0x10080] =	vst v63  }
0xda: {  	s29 =	simm.s32 $0xC880;
	v3 =	vperm.xlane v3, v2  }
0xdb: {  	[tilespmem:s29], [sflag:$0x4] =	stream.indirect_vreg.gather [hbm4b:s4+s3], $0x80, v4, vm0, $0xb8;
	[tilespmem:$0x10080] =	vst v63  }
0xdc: {  	v3 =	vadd.s32 v1, v3;
	s29 =	simm.s32 $0xD080  }
0xdd: {  	[tilespmem:s29], [sflag:$0x4] =	stream.indirect_vreg.gather [hbm4b:s5+s3], $0x80, v4, vm0, $0xb8;
	[tilespmem:$0x10080] =	vst v63  }
0xde: {  	s29 =	simm.s32 $0xD880  }
0xdf: {  	[tilespmem:s29], [sflag:$0x4] =	stream.indirect_vreg.gather [hbm4b:s6+s3], $0x80, v4, vm0, $0xb8;
	[tilespmem:$0x10080] =	vst v63  }
0xe0: {  	s29 =	simm.s32 $0xE080  }
0xe1: {  	[tilespmem:s29], [sflag:$0x4] =	stream.indirect_vreg.gather [hbm4b:s2+s3], $0x80, v3, vm0, $0xb8;
	[tilespmem:$0x10080] =	vst v63  }
0xe2: {  	s29 =	simm.s32 $0xE880  }
0xe3: {  	[tilespmem:s29], [sflag:$0x4] =	stream.indirect_vreg.gather [hbm4b:s4+s3], $0x80, v3, vm0, $0xb8;
	[tilespmem:$0x10080] =	vst v63  }
0xe4: {  	s29 =	simm.s32 $0xF080  }
0xe5: {  	[tilespmem:s29], [sflag:$0x4] =	stream.indirect_vreg.gather [hbm4b:s5+s3], $0x80, v3, vm0, $0xb8;
	[tilespmem:$0x10080] =	vst v63  }
0xe6: {  	s8 =	simm.s32 $0xF880  }
0xe7: {  	[tilespmem:s8], [sflag:$0x4] =	stream.indirect_vreg.gather [hbm4b:s6+s3], $0x80, v3, vm0, $0xb8;
	[tilespmem:$0x10080] =	vst v63  }
0xe8: {  	s29 =	rddreg [dreg:$0x9]  }
0xe9: {  	[hbm4b:s29+s3] =	stream.linear.scatter [tilespmem:s17], [sflag:$0x5], $0x4000, $0x38;
	[tilespmem:$0x10080] =	vst v63  }
0xea: {  	_ =	swait.ge [sflag:s21], $0x4000  }
0xeb: {  	[sflag:s21] =	ssyncset.done $0x0  }
0xec: {  	s8 =	rddreg [dreg:$0xa];
	[sflag:s21] =	ssyncadd.s32 $0xFFFFC000  }
0xed: {  	[hbm4b:s8+s3] =	stream.linear.scatter [tilespmem:s25], [sflag:$0x6], $0x4000, $0x38;
	[tilespmem:$0x10080] =	vst v63  }
0xee: {  	_ =	swait.ge [sflag:s0], $0x4000  }
0xef: {  	[sflag:s0] =	ssyncset.done $0x0  }
0xf0: {  	s8 =	rddreg [dreg:$0xb];
	[sflag:s0] =	ssyncadd.s32 $0xFFFFC000  }
0xf1: {  	[hbm4b:s8+s3] =	stream.linear.scatter [tilespmem:s10], [sflag:$0x7], $0x4000, $0x38;
	[tilespmem:$0x10080] =	vst v63  }
0xf2: {  	_ =	swait.ge [sflag:s24], $0x4000  }
0xf3: {  	[sflag:s24] =	ssyncset.done $0x0  }
0xf4: {  	s21 =	rddreg [dreg:$0xc];
	[sflag:s24] =	ssyncadd.s32 $0xFFFFC000  }
0xf5: {  	[hbm4b:s21+s3] =	stream.linear.scatter [tilespmem:s20], [sflag:$0x8], $0x4000, $0x38;
	[tilespmem:$0x10080] =	vst v63  }
0xf6: {  	_ =	swait.ge [sflag:s22], $0x4000  }
0xf7: {  	[sflag:s22] =	ssyncset.done $0x0  }
0xf8: {  	[sflag:s22] =	ssyncadd.s32 $0xFFFFC000  }
0xf9: {  	_ =	swait.ge [sflag:s1], $0x4000  }
0xfa: {  	[sflag:s1] =	ssyncset.done $0x0  }
0xfb: {  	[sflag:s1] =	ssyncadd.s32 $0xFFFFC000  }
0xfc: {  	p0 =	sne.s32 s7, $0x1;
	_ =	swait.ge [sflag:s26], $0x4000  }
.Ltmp0:
0xfd: {  	[sflag:s26] =	ssyncset.done $0x0;
	(pc) =	sbr.rel @p0 .LBB2_1-.Ltmp0, $4  }
0xfe: {  	[sflag:s26] =	ssyncadd.s32 $0xFFFFC000  }
0xff: {  	_ =	swait.ge [sflag:s28], $0x4000  }
0x100: {  	[sflag:s28] =	ssyncset.done $0x0  }
0x101: {  	s7 =	sadd.s32 $0xFFFFFFFF, s7;
	[sflag:s28] =	ssyncadd.s32 $0xFFFFC000  }
0x102: {  	_ =	sfence.sel $0x180000  }
0x103: {  	[bflag:$0x0] =	sbarrier.arrive $0xFFFF  }
0x104: {  	_ =	strace $0x9000004A  }
0x105: {  	s0 =	stileid.u32;
	[bflag:$0x2] =	sbarrier.arrive $0xFFFF  }
0x106: {  	p0 =	sne.s32 s0, $0x0;
	s0 =	rddreg [dreg:$0x3]  }
0x107: {  	s0 =	sadd.s32 @!p0 $0x100000, s0  }
0x108: {  	[sflag:s0] =	ssyncadd.tile.s32 @!p0 $0x1;
	_ =	shalt  }
.Lfunc_end2:
_tile_overlayer_lowered:
.L_overlay_start_2:
0x109: {  	(tag) =	ssettag $0x2  }
0x10a: {  	s0 =	rddreg [dreg:$0x0];
	s2 =	stileid.u32  }
0x10b: {  	s1 =	rddreg [dreg:$0x1];
	p0 =	sne.s32 s2, $0x0  }
0x10c: {  	s3 =	rddreg [dreg:$0x2];
	[bflag:$0x3] =	sbarrier.arrive $0xFFFF;
	s2 =	simm.s32 @!p0 $0x1C09  }
0x10d: {  	[timem:s3], [sflag:s2] =	dma.local @!p0 [hbm:s0], s1  }
0x10e: {  	s0 =	simm.s32 @!p0 $0x9  }
0x10f: {  	_ =	swait.ge @!p0 [sflag:s0], s1  }
0x110: {  	s1 =	ssub.s32 @!p0 $0x0, s1;
	[sflag:s0] =	ssyncset.done @!p0 $0x0  }
0x111: {  	[sflag:s0] =	ssyncadd.s32 @!p0 s1  }
0x112: {  	[bflag:$0x3] =	sbarrier.arrive $0xFFFF  }
0x113: {  	_ =	shalt  }

</sc_bundles>
